<compile_context>
chip_gen: v7x
topology: tpu7x:2x2x1
jax: 0.10.2.dev20260603
libtpu: 0.0.44.dev20260713+nightly
codegen_flags: <defaults>
</compile_context>

<pallas_src>
import functools

import jax
import jax.numpy as jnp
from jax import lax
from jax.experimental import pallas as pl
from jax.experimental.pallas import tpu as pltpu
from jax.experimental.pallas import tpu_sc as plsc

Q = 1024
D = 128
K = 100000
CHUNK = 128
BK = 2048
NBLK = (K + BK - 1) // BK
KPAD = NBLK * BK
NCHUNK = KPAD // CHUNK
TOPK = 16
NCAND = TOPK * CHUNK
NEG = -1e30
NEGINF = -3e38
EPS = 1e-8


def _sims_body(q_ref, k_ref, sims_ref, cmax_ref):
    i = pl.program_id(0)
    q = q_ref[...]
    qn = q / jnp.maximum(jnp.sqrt(jnp.sum(q * q, axis=1, keepdims=True)), EPS)
    kb = k_ref[...]
    kn = kb / jnp.maximum(jnp.sqrt(jnp.sum(kb * kb, axis=1, keepdims=True)), EPS)
    s = lax.dot_general(qn, kn, (((1,), (1,)), ((), ())),
                        preferred_element_type=jnp.float32)
    col = i * BK + lax.broadcasted_iota(jnp.int32, (1, BK), 1)
    s = jnp.where(col < K, s, NEG)
    sims_ref[...] = s
    parts = [jnp.max(s[:, j * CHUNK:(j + 1) * CHUNK], axis=1, keepdims=True)
             for j in range(BK // CHUNK)]
    cmax_ref[...] = jnp.concatenate(parts, axis=1).reshape(1, Q, BK // CHUNK)


def _sims_chunkmax(queries, keys):
    return pl.pallas_call(
        _sims_body,
        grid=(NBLK,),
        in_specs=[
            pl.BlockSpec((Q, D), lambda i: (0, 0)),
            pl.BlockSpec((BK, D), lambda i: (i, 0)),
        ],
        out_specs=[
            pl.BlockSpec((Q, BK), lambda i: (0, i)),
            pl.BlockSpec((1, Q, BK // CHUNK), lambda i: (i, 0, 0)),
        ],
        out_shape=[
            jax.ShapeDtypeStruct((Q, KPAD), jnp.float32),
            jax.ShapeDtypeStruct((NBLK, Q, BK // CHUNK), jnp.float32),
        ],
    )(queries, keys)


_BROWS = 256


def _select_body(cmax_ref, ids_ref, cidx_ref):
    pid = pl.program_id(0)
    x = cmax_ref[...]
    it = lax.broadcasted_iota(jnp.int32, (_BROWS, NCHUNK), 1)
    big = (1 << 30)
    picks = []
    for _ in range(TOPK):
        m = jnp.max(x, axis=1, keepdims=True)
        p = jnp.min(jnp.where(x == m, it, big), axis=1, keepdims=True)
        picks.append(p)
        x = jnp.where(it == p, NEGINF, x)
    cidx = jnp.concatenate(picks, axis=1)
    it16 = lax.broadcasted_iota(jnp.int32, (_BROWS, TOPK), 1)
    y = cidx
    cols = []
    for _ in range(TOPK):
        mn = jnp.min(y, axis=1, keepdims=True)
        pos = jnp.min(jnp.where(y == mn, it16, big), axis=1, keepdims=True)
        cols.append(mn)
        y = jnp.where(it16 == pos, big, y)
    srt = jnp.concatenate(cols, axis=1)
    cidx_ref[...] = srt
    qrow = pid * _BROWS + lax.broadcasted_iota(jnp.int32, (_BROWS, TOPK), 0)
    ids_ref[...] = qrow * NCHUNK + srt


def _select_chunks(cmax):
    return pl.pallas_call(
        _select_body,
        grid=(Q // _BROWS,),
        in_specs=[pl.BlockSpec((_BROWS, NCHUNK), lambda i: (i, 0))],
        out_specs=[
            pl.BlockSpec((_BROWS, TOPK), lambda i: (i, 0)),
            pl.BlockSpec((_BROWS, TOPK), lambda i: (i, 0)),
        ],
        out_shape=[
            jax.ShapeDtypeStruct((Q, TOPK), jnp.int32),
            jax.ShapeDtypeStruct((Q, TOPK), jnp.int32),
        ],
    )(cmax)


_NW = 32
_RPW = Q * TOPK // _NW
_IDROWS = Q * TOPK // 128


def _sc_gather(sims_rows, ids2d):
    mesh = plsc.VectorSubcoreMesh(core_axis_name="c", subcore_axis_name="s")

    @functools.partial(
        pl.kernel,
        mesh=mesh,
        out_type=jax.ShapeDtypeStruct((Q * TOPK, CHUNK), jnp.float32),
        scratch_types=[
            pltpu.VMEM((4, 128), jnp.int32),
            pltpu.VMEM((_RPW, CHUNK), jnp.float32),
            pltpu.SemaphoreType.DMA,
        ],
    )
    def k(sims_hbm, ids_hbm, out_hbm, idx_v, rows_v, sem):
        wid = lax.axis_index("s") * 2 + lax.axis_index("c")
        pltpu.sync_copy(ids_hbm.at[pl.ds(wid * 4, 4)], idx_v)
        copies = [
            pltpu.async_copy(sims_hbm.at[idx_v.at[i]],
                             rows_v.at[pl.ds(i * 128, 128)], sem)
            for i in range(4)
        ]
        for c in copies:
            c.wait()
        pltpu.sync_copy(rows_v, out_hbm.at[pl.ds(wid * _RPW, _RPW)])

    return k(sims_rows, ids2d)


_DROWS = 128


def _topk_body(cand_ref, cidx_ref, vals_ref, idx_ref):
    x = cand_ref[...]
    c = cidx_ref[...]
    it = lax.broadcasted_iota(jnp.int32, (_DROWS, NCAND), 1)
    it16 = lax.broadcasted_iota(jnp.int32, (_DROWS, TOPK), 1)
    big = (1 << 30)
    vals, gids = [], []
    for _ in range(TOPK):
        m = jnp.max(x, axis=1, keepdims=True)
        p = jnp.min(jnp.where(x == m, it, big), axis=1, keepdims=True)
        slot = p // CHUNK
        cv = jnp.sum(jnp.where(it16 == slot, c, 0), axis=1, keepdims=True)
        vals.append(m)
        gids.append(cv * CHUNK + (p - slot * CHUNK))
        x = jnp.where(it == p, NEGINF, x)
    vals_ref[...] = jnp.concatenate(vals, axis=1)
    idx_ref[...] = jnp.concatenate(gids, axis=1)


def _final_topk(cand, cidx):
    return pl.pallas_call(
        _topk_body,
        grid=(Q // _DROWS,),
        in_specs=[
            pl.BlockSpec((_DROWS, NCAND), lambda i: (i, 0)),
            pl.BlockSpec((_DROWS, TOPK), lambda i: (i, 0)),
        ],
        out_specs=[
            pl.BlockSpec((_DROWS, TOPK), lambda i: (i, 0)),
            pl.BlockSpec((_DROWS, TOPK), lambda i: (i, 0)),
        ],
        out_shape=[
            jax.ShapeDtypeStruct((Q, TOPK), jnp.float32),
            jax.ShapeDtypeStruct((Q, TOPK), jnp.int32),
        ],
    )(cand, cidx)


def kernel(queries, keys, k):
    del k
    sims, cmax3 = _sims_chunkmax(queries, keys)
    cmax = cmax3.transpose(1, 0, 2).reshape(Q, NCHUNK)
    ids, cidx = _select_chunks(cmax)
    cand = _sc_gather(sims.reshape(Q * NCHUNK, CHUNK),
                      ids.reshape(_IDROWS, 128))
    vals, idx = _final_topk(cand.reshape(Q, NCAND), cidx)
    return vals, idx

# --- scband reference (transcript-rebuilt; emitter-appended) ---
"""Pipeline reference for scband-hierarchical-memory-64158221467656 (READ-ONLY COPY).

The authoritative reference and input builder live on the scoring server;
editing this copy changes nothing except your own understanding.
"""

import jax, jax.numpy as jnp
import numpy as np


def setup_inputs(seed: int = 0) -> dict:
    key = jax.random.key(seed)
    k1, k2 = jax.random.split(key)
    queries = jax.random.normal(k1, (1024, 128), dtype=jnp.float32)
    keys = jax.random.normal(k2, (100000, 128), dtype=jnp.float32)
    return {"queries": queries, "keys": keys, "k": 16}


def reference(queries, keys, k):
    # HierarchicalMemory.retrieve: cosine similarity between query and every
    # stored module's (flattened) parameters, then take top-k by similarity.
    # torch.nn.functional.cosine_similarity clamps norms at eps=1e-8.
    eps = 1e-8
    q_norm = jnp.maximum(jnp.linalg.norm(queries, axis=-1, keepdims=True), eps)
    k_norm = jnp.maximum(jnp.linalg.norm(keys, axis=-1, keepdims=True), eps)
    qn = queries / q_norm
    kn = keys / k_norm
    sims = qn @ kn.T  # [Q, K] cosine similarities
    # retrieve() sorts descending and returns the top-k entries
    top_vals, top_idx = jax.lax.top_k(sims, 16)
    top_vals = top_vals + jnp.zeros((), top_vals.dtype) * k
    return top_vals, top_idx

if __name__ == "__main__":
    import jax
    _d = setup_inputs()
    print(jax.jit(kernel)(*tuple(_d.values())))

</pallas_src>

<mosaic_0001>
#map = affine_map<(d0, d1) -> (0, 0)>
module attributes {stable_mosaic.version = 14 : i64} {
  func.func @k(%arg0: i32, %arg1: i32, %arg2: memref<802816x128xf32, #tpu.memory_space<hbm>>, %arg3: memref<128x128xi32, #tpu.memory_space<hbm>>, %arg4: memref<16384x128xf32, #tpu.memory_space<hbm>>, %arg5: memref<4x128xi32, #tpu.memory_space<vmem>>, %arg6: memref<512x128xf32, #tpu.memory_space<vmem>>, %arg7: memref<!tpu.dma_semaphore, #tpu.memory_space<semaphore_mem>>) attributes {dimension_semantics = [#tpu.dimension_semantics<core_parallel>, #tpu.dimension_semantics<subcore_parallel>], iteration_bounds = array<i64: 2, 16>, scalar_prefetch = 0 : i64, scratch_operands = 3 : i64, tpu.core_type = #tpu.core_type<sc_vector_subcore>, window_params = [{transform_indices = #map}, {transform_indices = #map}, {transform_indices = #map}]} {
    %mul3A = arith.constant 2 : i32
    %mul3A_0 = arith.muli %arg1, %mul3A : i32
    %add3A = arith.addi %mul3A_0, %arg0 : i32
    %mul3A_1 = arith.constant 4 : i32
    %mul3A_2 = arith.muli %add3A, %mul3A_1 : i32
    "tpu.region"() ({
      %run_scoped3A = tpu.sem_alloc : memref<!tpu.dma_semaphore, #tpu.memory_space<semaphore_mem>>
      %dma_start3A_83 = arith.constant 0 : i32
      %dma_start3A_84 = tpu.memref_slice %arg3[%mul3A_2, %dma_start3A_83] : memref<128x128xi32, #tpu.memory_space<hbm>> -> memref<4x128xi32, #tpu.memory_space<hbm>>
      %dma_start3A_85 = arith.constant 0 : i32
      %dma_start3A_86 = tpu.memref_slice %arg3[%mul3A_2, %dma_start3A_85] : memref<128x128xi32, #tpu.memory_space<hbm>> -> memref<4x128xi32, #tpu.memory_space<hbm>>
      tpu.enqueue_dma source(%dma_start3A_86 : memref<4x128xi32, #tpu.memory_space<hbm>>) target(%arg5 : memref<4x128xi32, #tpu.memory_space<vmem>>) target_semaphore(%run_scoped3A : memref<!tpu.dma_semaphore, #tpu.memory_space<semaphore_mem>>)
      %dma_wait3A_87 = arith.constant 0 : i32
      %dma_wait3A_88 = tpu.memref_slice %arg3[%mul3A_2, %dma_wait3A_87] : memref<128x128xi32, #tpu.memory_space<hbm>> -> memref<4x128xi32, #tpu.memory_space<hbm>>
      %dma_wait3A_89 = arith.constant 0 : i32
      %dma_wait3A_90 = tpu.memref_slice %arg3[%mul3A_2, %dma_wait3A_89] : memref<128x128xi32, #tpu.memory_space<hbm>> -> memref<4x128xi32, #tpu.memory_space<hbm>>
      tpu.wait_dma2 semaphore(%run_scoped3A : memref<!tpu.dma_semaphore, #tpu.memory_space<semaphore_mem>>) src(%dma_wait3A_90 : memref<4x128xi32, #tpu.memory_space<hbm>>) dst(%arg5 : memref<4x128xi32, #tpu.memory_space<vmem>>)
      tpu.yield
    }) : () -> ()
    %dma_start3A = arith.constant 0 : i32
    %dma_start3A_3 = arith.constant 0 : i32
    %dma_start3A_4 = arith.constant 0 : i32
    %dma_start3A_5 = tpu.memref_slice %arg6[%dma_start3A_3, %dma_start3A_4] : memref<512x128xf32, #tpu.memory_space<vmem>> -> memref<128x128xf32, #tpu.memory_space<vmem>>
    %dma_start3A_6 = arith.constant 0 : i32
    %dma_start3A_7 = tpu.memref_slice %arg5[%dma_start3A, %dma_start3A_6] : memref<4x128xi32, #tpu.memory_space<vmem>> -> memref<1x128xi32, #tpu.memory_space<vmem>>
    %dma_start3A_8 = tpu.memref_squeeze %dma_start3A_7 : memref<1x128xi32, #tpu.memory_space<vmem>> -> memref<128xi32, #tpu.memory_space<vmem>>
    %dma_start3A_9 = arith.constant 0 : i32
    %dma_start3A_10 = arith.constant 0 : i32
    %dma_start3A_11 = tpu.memref_slice %arg2[%dma_start3A_9, %dma_start3A_10] : memref<802816x128xf32, #tpu.memory_space<hbm>> -> memref<802816x128xf32, #tpu.memory_space<hbm>>
    tpu.enqueue_indirect_dma source(%dma_start3A_11 : memref<802816x128xf32, #tpu.memory_space<hbm>>) target(%dma_start3A_5 : memref<128x128xf32, #tpu.memory_space<vmem>>) offsets(%dma_start3A_8 : memref<128xi32, #tpu.memory_space<vmem>>) semaphore(%arg7 : memref<!tpu.dma_semaphore, #tpu.memory_space<semaphore_mem>>)
    %dma_start3A_12 = arith.constant 1 : i32
    %dma_start3A_13 = arith.constant 128 : i32
    %dma_start3A_14 = arith.constant 0 : i32
    %dma_start3A_15 = tpu.memref_slice %arg6[%dma_start3A_13, %dma_start3A_14] : memref<512x128xf32, #tpu.memory_space<vmem>> -> memref<128x128xf32, #tpu.memory_space<vmem>>
    %dma_start3A_16 = arith.constant 0 : i32
    %dma_start3A_17 = tpu.memref_slice %arg5[%dma_start3A_12, %dma_start3A_16] : memref<4x128xi32, #tpu.memory_space<vmem>> -> memref<1x128xi32, #tpu.memory_space<vmem>>
    %dma_start3A_18 = tpu.memref_squeeze %dma_start3A_17 : memref<1x128xi32, #tpu.memory_space<vmem>> -> memref<128xi32, #tpu.memory_space<vmem>>
    %dma_start3A_19 = arith.constant 0 : i32
    %dma_start3A_20 = arith.constant 0 : i32
    %dma_start3A_21 = tpu.memref_slice %arg2[%dma_start3A_19, %dma_start3A_20] : memref<802816x128xf32, #tpu.memory_space<hbm>> -> memref<802816x128xf32, #tpu.memory_space<hbm>>
    tpu.enqueue_indirect_dma source(%dma_start3A_21 : memref<802816x128xf32, #tpu.memory_space<hbm>>) target(%dma_start3A_15 : memref<128x128xf32, #tpu.memory_space<vmem>>) offsets(%dma_start3A_18 : memref<128xi32, #tpu.memory_space<vmem>>) semaphore(%arg7 : memref<!tpu.dma_semaphore, #tpu.memory_space<semaphore_mem>>)
    %dma_start3A_22 = arith.constant 2 : i32
    %dma_start3A_23 = arith.constant 256 : i32
    %dma_start3A_24 = arith.constant 0 : i32
    %dma_start3A_25 = tpu.memref_slice %arg6[%dma_start3A_23, %dma_start3A_24] : memref<512x128xf32, #tpu.memory_space<vmem>> -> memref<128x128xf32, #tpu.memory_space<vmem>>
    %dma_start3A_26 = arith.constant 0 : i32
    %dma_start3A_27 = tpu.memref_slice %arg5[%dma_start3A_22, %dma_start3A_26] : memref<4x128xi32, #tpu.memory_space<vmem>> -> memref<1x128xi32, #tpu.memory_space<vmem>>
    %dma_start3A_28 = tpu.memref_squeeze %dma_start3A_27 : memref<1x128xi32, #tpu.memory_space<vmem>> -> memref<128xi32, #tpu.memory_space<vmem>>
    %dma_start3A_29 = arith.constant 0 : i32
    %dma_start3A_30 = arith.constant 0 : i32
    %dma_start3A_31 = tpu.memref_slice %arg2[%dma_start3A_29, %dma_start3A_30] : memref<802816x128xf32, #tpu.memory_space<hbm>> -> memref<802816x128xf32, #tpu.memory_space<hbm>>
    tpu.enqueue_indirect_dma source(%dma_start3A_31 : memref<802816x128xf32, #tpu.memory_space<hbm>>) target(%dma_start3A_25 : memref<128x128xf32, #tpu.memory_space<vmem>>) offsets(%dma_start3A_28 : memref<128xi32, #tpu.memory_space<vmem>>) semaphore(%arg7 : memref<!tpu.dma_semaphore, #tpu.memory_space<semaphore_mem>>)
    %dma_start3A_32 = arith.constant 3 : i32
    %dma_start3A_33 = arith.constant 384 : i32
    %dma_start3A_34 = arith.constant 0 : i32
    %dma_start3A_35 = tpu.memref_slice %arg6[%dma_start3A_33, %dma_start3A_34] : memref<512x128xf32, #tpu.memory_space<vmem>> -> memref<128x128xf32, #tpu.memory_space<vmem>>
    %dma_start3A_36 = arith.constant 0 : i32
    %dma_start3A_37 = tpu.memref_slice %arg5[%dma_start3A_32, %dma_start3A_36] : memref<4x128xi32, #tpu.memory_space<vmem>> -> memref<1x128xi32, #tpu.memory_space<vmem>>
    %dma_start3A_38 = tpu.memref_squeeze %dma_start3A_37 : memref<1x128xi32, #tpu.memory_space<vmem>> -> memref<128xi32, #tpu.memory_space<vmem>>
    %dma_start3A_39 = arith.constant 0 : i32
    %dma_start3A_40 = arith.constant 0 : i32
    %dma_start3A_41 = tpu.memref_slice %arg2[%dma_start3A_39, %dma_start3A_40] : memref<802816x128xf32, #tpu.memory_space<hbm>> -> memref<802816x128xf32, #tpu.memory_space<hbm>>
    tpu.enqueue_indirect_dma source(%dma_start3A_41 : memref<802816x128xf32, #tpu.memory_space<hbm>>) target(%dma_start3A_35 : memref<128x128xf32, #tpu.memory_space<vmem>>) offsets(%dma_start3A_38 : memref<128xi32, #tpu.memory_space<vmem>>) semaphore(%arg7 : memref<!tpu.dma_semaphore, #tpu.memory_space<semaphore_mem>>)
    %dma_wait3A = arith.constant 0 : i32
    %dma_wait3A_42 = arith.constant 0 : i32
    %dma_wait3A_43 = arith.constant 0 : i32
    %dma_wait3A_44 = tpu.memref_slice %arg6[%dma_wait3A_42, %dma_wait3A_43] : memref<512x128xf32, #tpu.memory_space<vmem>> -> memref<128x128xf32, #tpu.memory_space<vmem>>
    %dma_wait3A_45 = arith.constant 0 : i32
    %dma_wait3A_46 = tpu.memref_slice %arg5[%dma_wait3A, %dma_wait3A_45] : memref<4x128xi32, #tpu.memory_space<vmem>> -> memref<1x128xi32, #tpu.memory_space<vmem>>
    %dma_wait3A_47 = tpu.memref_squeeze %dma_wait3A_46 : memref<1x128xi32, #tpu.memory_space<vmem>> -> memref<128xi32, #tpu.memory_space<vmem>>
    %dma_wait3A_48 = arith.constant 0 : i32
    %dma_wait3A_49 = arith.constant 0 : i32
    %dma_wait3A_50 = tpu.memref_slice %arg2[%dma_wait3A_48, %dma_wait3A_49] : memref<802816x128xf32, #tpu.memory_space<hbm>> -> memref<802816x128xf32, #tpu.memory_space<hbm>>
    tpu.wait_indirect_dma semaphore(%arg7 : memref<!tpu.dma_semaphore, #tpu.memory_space<semaphore_mem>>) src(%dma_wait3A_50 : memref<802816x128xf32, #tpu.memory_space<hbm>>) dst(%dma_wait3A_44 : memref<128x128xf32, #tpu.memory_space<vmem>>)
    %dma_wait3A_51 = arith.constant 1 : i32
    %dma_wait3A_52 = arith.constant 128 : i32
    %dma_wait3A_53 = arith.constant 0 : i32
    %dma_wait3A_54 = tpu.memref_slice %arg6[%dma_wait3A_52, %dma_wait3A_53] : memref<512x128xf32, #tpu.memory_space<vmem>> -> memref<128x128xf32, #tpu.memory_space<vmem>>
    %dma_wait3A_55 = arith.constant 0 : i32
    %dma_wait3A_56 = tpu.memref_slice %arg5[%dma_wait3A_51, %dma_wait3A_55] : memref<4x128xi32, #tpu.memory_space<vmem>> -> memref<1x128xi32, #tpu.memory_space<vmem>>
    %dma_wait3A_57 = tpu.memref_squeeze %dma_wait3A_56 : memref<1x128xi32, #tpu.memory_space<vmem>> -> memref<128xi32, #tpu.memory_space<vmem>>
    %dma_wait3A_58 = arith.constant 0 : i32
    %dma_wait3A_59 = arith.constant 0 : i32
    %dma_wait3A_60 = tpu.memref_slice %arg2[%dma_wait3A_58, %dma_wait3A_59] : memref<802816x128xf32, #tpu.memory_space<hbm>> -> memref<802816x128xf32, #tpu.memory_space<hbm>>
    tpu.wait_indirect_dma semaphore(%arg7 : memref<!tpu.dma_semaphore, #tpu.memory_space<semaphore_mem>>) src(%dma_wait3A_60 : memref<802816x128xf32, #tpu.memory_space<hbm>>) dst(%dma_wait3A_54 : memref<128x128xf32, #tpu.memory_space<vmem>>)
    %dma_wait3A_61 = arith.constant 2 : i32
    %dma_wait3A_62 = arith.constant 256 : i32
    %dma_wait3A_63 = arith.constant 0 : i32
    %dma_wait3A_64 = tpu.memref_slice %arg6[%dma_wait3A_62, %dma_wait3A_63] : memref<512x128xf32, #tpu.memory_space<vmem>> -> memref<128x128xf32, #tpu.memory_space<vmem>>
    %dma_wait3A_65 = arith.constant 0 : i32
    %dma_wait3A_66 = tpu.memref_slice %arg5[%dma_wait3A_61, %dma_wait3A_65] : memref<4x128xi32, #tpu.memory_space<vmem>> -> memref<1x128xi32, #tpu.memory_space<vmem>>
    %dma_wait3A_67 = tpu.memref_squeeze %dma_wait3A_66 : memref<1x128xi32, #tpu.memory_space<vmem>> -> memref<128xi32, #tpu.memory_space<vmem>>
    %dma_wait3A_68 = arith.constant 0 : i32
    %dma_wait3A_69 = arith.constant 0 : i32
    %dma_wait3A_70 = tpu.memref_slice %arg2[%dma_wait3A_68, %dma_wait3A_69] : memref<802816x128xf32, #tpu.memory_space<hbm>> -> memref<802816x128xf32, #tpu.memory_space<hbm>>
    tpu.wait_indirect_dma semaphore(%arg7 : memref<!tpu.dma_semaphore, #tpu.memory_space<semaphore_mem>>) src(%dma_wait3A_70 : memref<802816x128xf32, #tpu.memory_space<hbm>>) dst(%dma_wait3A_64 : memref<128x128xf32, #tpu.memory_space<vmem>>)
    %dma_wait3A_71 = arith.constant 3 : i32
    %dma_wait3A_72 = arith.constant 384 : i32
    %dma_wait3A_73 = arith.constant 0 : i32
    %dma_wait3A_74 = tpu.memref_slice %arg6[%dma_wait3A_72, %dma_wait3A_73] : memref<512x128xf32, #tpu.memory_space<vmem>> -> memref<128x128xf32, #tpu.memory_space<vmem>>
    %dma_wait3A_75 = arith.constant 0 : i32
    %dma_wait3A_76 = tpu.memref_slice %arg5[%dma_wait3A_71, %dma_wait3A_75] : memref<4x128xi32, #tpu.memory_space<vmem>> -> memref<1x128xi32, #tpu.memory_space<vmem>>
    %dma_wait3A_77 = tpu.memref_squeeze %dma_wait3A_76 : memref<1x128xi32, #tpu.memory_space<vmem>> -> memref<128xi32, #tpu.memory_space<vmem>>
    %dma_wait3A_78 = arith.constant 0 : i32
    %dma_wait3A_79 = arith.constant 0 : i32
    %dma_wait3A_80 = tpu.memref_slice %arg2[%dma_wait3A_78, %dma_wait3A_79] : memref<802816x128xf32, #tpu.memory_space<hbm>> -> memref<802816x128xf32, #tpu.memory_space<hbm>>
    tpu.wait_indirect_dma semaphore(%arg7 : memref<!tpu.dma_semaphore, #tpu.memory_space<semaphore_mem>>) src(%dma_wait3A_80 : memref<802816x128xf32, #tpu.memory_space<hbm>>) dst(%dma_wait3A_74 : memref<128x128xf32, #tpu.memory_space<vmem>>)
    %mul3A_81 = arith.constant 512 : i32
    %mul3A_82 = arith.muli %add3A, %mul3A_81 : i32
    "tpu.region"() ({
      %run_scoped3A = tpu.sem_alloc : memref<!tpu.dma_semaphore, #tpu.memory_space<semaphore_mem>>
      %dma_start3A_83 = arith.constant 0 : i32
      %dma_start3A_84 = tpu.memref_slice %arg4[%mul3A_82, %dma_start3A_83] : memref<16384x128xf32, #tpu.memory_space<hbm>> -> memref<512x128xf32, #tpu.memory_space<hbm>>
      %dma_start3A_85 = arith.constant 0 : i32
      %dma_start3A_86 = tpu.memref_slice %arg4[%mul3A_82, %dma_start3A_85] : memref<16384x128xf32, #tpu.memory_space<hbm>> -> memref<512x128xf32, #tpu.memory_space<hbm>>
      tpu.enqueue_dma source(%arg6 : memref<512x128xf32, #tpu.memory_space<vmem>>) target(%dma_start3A_86 : memref<512x128xf32, #tpu.memory_space<hbm>>) target_semaphore(%run_scoped3A : memref<!tpu.dma_semaphore, #tpu.memory_space<semaphore_mem>>)
      %dma_wait3A_87 = arith.constant 0 : i32
      %dma_wait3A_88 = tpu.memref_slice %arg4[%mul3A_82, %dma_wait3A_87] : memref<16384x128xf32, #tpu.memory_space<hbm>> -> memref<512x128xf32, #tpu.memory_space<hbm>>
      %dma_wait3A_89 = arith.constant 0 : i32
      %dma_wait3A_90 = tpu.memref_slice %arg4[%mul3A_82, %dma_wait3A_89] : memref<16384x128xf32, #tpu.memory_space<hbm>> -> memref<512x128xf32, #tpu.memory_space<hbm>>
      tpu.wait_dma2 semaphore(%run_scoped3A : memref<!tpu.dma_semaphore, #tpu.memory_space<semaphore_mem>>) src(%arg6 : memref<512x128xf32, #tpu.memory_space<vmem>>) dst(%dma_wait3A_90 : memref<512x128xf32, #tpu.memory_space<hbm>>)
      tpu.yield
    }) : () -> ()
    return
  }
}

module attributes {stable_mosaic.version = 14 : i64} {
  func.func @_sims_body(%arg0: i32, %arg1: memref<1024x128xf32, #tpu.memory_space<vmem>>, %arg2: memref<2048x128xf32, #tpu.memory_space<vmem>>, %arg3: memref<1024x2048xf32, #tpu.memory_space<vmem>>, %arg4: memref<1x1024x16xf32, #tpu.memory_space<vmem>>) attributes {dimension_semantics = [#tpu.dimension_semantics<arbitrary>], iteration_bounds = array<i64: 49>, scalar_prefetch = 0 : i64, scratch_operands = 0 : i64, tpu.core_type = #tpu.core_type<tc>, window_params = [{pipeline_mode = #tpu.pipeline_mode<synchronous>, transform_indices = @transform_0, window_bounds = array<i64: 1024, 128>}, {transform_indices = @transform_1, window_bounds = array<i64: 2048, 128>}, {transform_indices = @transform_2, window_bounds = array<i64: 1024, 2048>}, {transform_indices = @transform_3, window_bounds = array<i64: 1, 1024, 16>}]} {
    %get3A = arith.constant 0 : index
    %get3A_0 = arith.constant 0 : index
    %get3A_1 = vector.load %arg1[%get3A, %get3A_0] : memref<1024x128xf32, #tpu.memory_space<vmem>>, vector<1024x128xf32>
    %mul3A = arith.mulf %get3A_1, %get3A_1 : vector<1024x128xf32>
    %reduce_sum3A = arith.constant dense<0.000000e+00> : vector<1024xf32>
    %reduce_sum3A_2 = vector.multi_reduction <add>, %mul3A, %reduce_sum3A [1] : vector<1024x128xf32> to vector<1024xf32>
    %broadcast_in_dim3A = vector.shape_cast %reduce_sum3A_2 : vector<1024xf32> to vector<1024x1xf32>
    %sqrt3A = math.sqrt %broadcast_in_dim3A : vector<1024x1xf32>
    %max3A = arith.constant 9.99999993E-9 : f32
    %max3A_3 = vector.broadcast %max3A : f32 to vector<1024x1xf32>
    %max3A_4 = arith.maximumf %sqrt3A, %max3A_3 : vector<1024x1xf32>
    %div3A = vector.broadcast %max3A_4 : vector<1024x1xf32> to vector<1024x128xf32>
    %div3A_5 = arith.divf %get3A_1, %div3A : vector<1024x128xf32>
    %get3A_6 = arith.constant 0 : index
    %get3A_7 = arith.constant 0 : index
    %get3A_8 = vector.load %arg2[%get3A_6, %get3A_7] : memref<2048x128xf32, #tpu.memory_space<vmem>>, vector<2048x128xf32>
    %mul3A_9 = arith.mulf %get3A_8, %get3A_8 : vector<2048x128xf32>
    %reduce_sum3A_10 = arith.constant dense<0.000000e+00> : vector<2048xf32>
    %reduce_sum3A_11 = vector.multi_reduction <add>, %mul3A_9, %reduce_sum3A_10 [1] : vector<2048x128xf32> to vector<2048xf32>
    %broadcast_in_dim3A_12 = vector.shape_cast %reduce_sum3A_11 : vector<2048xf32> to vector<2048x1xf32>
    %sqrt3A_13 = math.sqrt %broadcast_in_dim3A_12 : vector<2048x1xf32>
    %max3A_14 = arith.constant 9.99999993E-9 : f32
    %max3A_15 = vector.broadcast %max3A_14 : f32 to vector<2048x1xf32>
    %max3A_16 = arith.maximumf %sqrt3A_13, %max3A_15 : vector<2048x1xf32>
    %div3A_17 = vector.broadcast %max3A_16 : vector<2048x1xf32> to vector<2048x128xf32>
    %div3A_18 = arith.divf %get3A_8, %div3A_17 : vector<2048x128xf32>
    %dot_general3A = arith.constant dense<0.000000e+00> : vector<1024x2048xf32>
    %dot_general3A_19 = tpu.matmul %div3A_5, %div3A_18, %dot_general3A {dimension_numbers = #tpu.dot_dimension_numbers<[1], [1], [0], [0], [0, 0, 1, 0], [], []>, transpose_lhs_hint = false} : vector<1024x128xf32>, vector<2048x128xf32>, vector<1024x2048xf32> -> vector<1024x2048xf32>
    %mul3A_20 = arith.constant 2048 : i32
    %mul3A_21 = arith.muli %arg0, %mul3A_20 : i32
    %iota3A = tpu.iota {dimensions = array<i32: 1>} : vector<1x2048xi32>
    %add3A = vector.broadcast %mul3A_21 : i32 to vector<1x2048xi32>
    %add3A_22 = arith.addi %add3A, %iota3A : vector<1x2048xi32>
    %lt3A = arith.constant 100000 : i32
    %lt3A_23 = vector.broadcast %lt3A : i32 to vector<1x2048xi32>
    %lt3A_24 = arith.cmpi slt, %add3A_22, %lt3A_23 : vector<1x2048xi32>
    %jit3A = arith.constant -1.000000e+30 : f32
    %broadcast_in_dim3A_25 = vector.shape_cast %lt3A_24 : vector<1x2048xi1> to vector<1x2048xi1>
    %broadcast_in_dim3A_26 = vector.broadcast %broadcast_in_dim3A_25 : vector<1x2048xi1> to vector<1024x2048xi1>
    %broadcast_in_dim3A_27 = vector.broadcast %jit3A : f32 to vector<1024x2048xf32>
    %select_n3A = arith.select %broadcast_in_dim3A_26, %dot_general3A_19, %broadcast_in_dim3A_27 : vector<1024x2048xi1>, vector<1024x2048xf32>
    %swap3A = arith.constant 0 : index
    %swap3A_28 = arith.constant 0 : index
    %swap3A_29 = vector.load %arg3[%swap3A, %swap3A_28] : memref<1024x2048xf32, #tpu.memory_space<vmem>>, vector<1024x2048xf32>
    tpu.vector_store %arg3[%swap3A, %swap3A_28], %select_n3A {strides = array<i32>} : memref<1024x2048xf32, #tpu.memory_space<vmem>>, vector<1024x2048xf32>,
    %slice3A = vector.extract_strided_slice %select_n3A {offsets = [0, 0], sizes = [1024, 128], strides = [1, 1]} : vector<1024x2048xf32> to vector<1024x128xf32>
    %reduce_max3A = arith.constant dense<0xFF800000> : vector<1024xf32>
    %reduce_max3A_30 = vector.multi_reduction <maximumf>, %slice3A, %reduce_max3A [1] : vector<1024x128xf32> to vector<1024xf32>
    %broadcast_in_dim3A_31 = vector.shape_cast %reduce_max3A_30 : vector<1024xf32> to vector<1024x1xf32>
    %slice3A_32 = vector.extract_strided_slice %select_n3A {offsets = [0, 128], sizes = [1024, 128], strides = [1, 1]} : vector<1024x2048xf32> to vector<1024x128xf32>
    %reduce_max3A_33 = arith.constant dense<0xFF800000> : vector<1024xf32>
    %reduce_max3A_34 = vector.multi_reduction <maximumf>, %slice3A_32, %reduce_max3A_33 [1] : vector<1024x128xf32> to vector<1024xf32>
    %broadcast_in_dim3A_35 = vector.shape_cast %reduce_max3A_34 : vector<1024xf32> to vector<1024x1xf32>
    %slice3A_36 = vector.extract_strided_slice %select_n3A {offsets = [0, 256], sizes = [1024, 128], strides = [1, 1]} : vector<1024x2048xf32> to vector<1024x128xf32>
    %reduce_max3A_37 = arith.constant dense<0xFF800000> : vector<1024xf32>
    %reduce_max3A_38 = vector.multi_reduction <maximumf>, %slice3A_36, %reduce_max3A_37 [1] : vector<1024x128xf32> to vector<1024xf32>
    %broadcast_in_dim3A_39 = vector.shape_cast %reduce_max3A_38 : vector<1024xf32> to vector<1024x1xf32>
    %slice3A_40 = vector.extract_strided_slice %select_n3A {offsets = [0, 384], sizes = [1024, 128], strides = [1, 1]} : vector<1024x2048xf32> to vector<1024x128xf32>
    %reduce_max3A_41 = arith.constant dense<0xFF800000> : vector<1024xf32>
    %reduce_max3A_42 = vector.multi_reduction <maximumf>, %slice3A_40, %reduce_max3A_41 [1] : vector<1024x128xf32> to vector<1024xf32>
    %broadcast_in_dim3A_43 = vector.shape_cast %reduce_max3A_42 : vector<1024xf32> to vector<1024x1xf32>
    %slice3A_44 = vector.extract_strided_slice %select_n3A {offsets = [0, 512], sizes = [1024, 128], strides = [1, 1]} : vector<1024x2048xf32> to vector<1024x128xf32>
    %reduce_max3A_45 = arith.constant dense<0xFF800000> : vector<1024xf32>
    %reduce_max3A_46 = vector.multi_reduction <maximumf>, %slice3A_44, %reduce_max3A_45 [1] : vector<1024x128xf32> to vector<1024xf32>
    %broadcast_in_dim3A_47 = vector.shape_cast %reduce_max3A_46 : vector<1024xf32> to vector<1024x1xf32>
    %slice3A_48 = vector.extract_strided_slice %select_n3A {offsets = [0, 640], sizes = [1024, 128], strides = [1, 1]} : vector<1024x2048xf32> to vector<1024x128xf32>
    %reduce_max3A_49 = arith.constant dense<0xFF800000> : vector<1024xf32>
    %reduce_max3A_50 = vector.multi_reduction <maximumf>, %slice3A_48, %reduce_max3A_49 [1] : vector<1024x128xf32> to vector<1024xf32>
    %broadcast_in_dim3A_51 = vector.shape_cast %reduce_max3A_50 : vector<1024xf32> to vector<1024x1xf32>
    %slice3A_52 = vector.extract_strided_slice %select_n3A {offsets = [0, 768], sizes = [1024, 128], strides = [1, 1]} : vector<1024x2048xf32> to vector<1024x128xf32>
    %reduce_max3A_53 = arith.constant dense<0xFF800000> : vector<1024xf32>
    %reduce_max3A_54 = vector.multi_reduction <maximumf>, %slice3A_52, %reduce_max3A_53 [1] : vector<1024x128xf32> to vector<1024xf32>
    %broadcast_in_dim3A_55 = vector.shape_cast %reduce_max3A_54 : vector<1024xf32> to vector<1024x1xf32>
    %slice3A_56 = vector.extract_strided_slice %select_n3A {offsets = [0, 896], sizes = [1024, 128], strides = [1, 1]} : vector<1024x2048xf32> to vector<1024x128xf32>
    %reduce_max3A_57 = arith.constant dense<0xFF800000> : vector<1024xf32>
    %reduce_max3A_58 = vector.multi_reduction <maximumf>, %slice3A_56, %reduce_max3A_57 [1] : vector<1024x128xf32> to vector<1024xf32>
    %broadcast_in_dim3A_59 = vector.shape_cast %reduce_max3A_58 : vector<1024xf32> to vector<1024x1xf32>
    %slice3A_60 = vector.extract_strided_slice %select_n3A {offsets = [0, 1024], sizes = [1024, 128], strides = [1, 1]} : vector<1024x2048xf32> to vector<1024x128xf32>
    %reduce_max3A_61 = arith.constant dense<0xFF800000> : vector<1024xf32>
    %reduce_max3A_62 = vector.multi_reduction <maximumf>, %slice3A_60, %reduce_max3A_61 [1] : vector<1024x128xf32> to vector<1024xf32>
    %broadcast_in_dim3A_63 = vector.shape_cast %reduce_max3A_62 : vector<1024xf32> to vector<1024x1xf32>
    %slice3A_64 = vector.extract_strided_slice %select_n3A {offsets = [0, 1152], sizes = [1024, 128], strides = [1, 1]} : vector<1024x2048xf32> to vector<1024x128xf32>
    %reduce_max3A_65 = arith.constant dense<0xFF800000> : vector<1024xf32>
    %reduce_max3A_66 = vector.multi_reduction <maximumf>, %slice3A_64, %reduce_max3A_65 [1] : vector<1024x128xf32> to vector<1024xf32>
    %broadcast_in_dim3A_67 = vector.shape_cast %reduce_max3A_66 : vector<1024xf32> to vector<1024x1xf32>
    %slice3A_68 = vector.extract_strided_slice %select_n3A {offsets = [0, 1280], sizes = [1024, 128], strides = [1, 1]} : vector<1024x2048xf32> to vector<1024x128xf32>
    %reduce_max3A_69 = arith.constant dense<0xFF800000> : vector<1024xf32>
    %reduce_max3A_70 = vector.multi_reduction <maximumf>, %slice3A_68, %reduce_max3A_69 [1] : vector<1024x128xf32> to vector<1024xf32>
    %broadcast_in_dim3A_71 = vector.shape_cast %reduce_max3A_70 : vector<1024xf32> to vector<1024x1xf32>
    %slice3A_72 = vector.extract_strided_slice %select_n3A {offsets = [0, 1408], sizes = [1024, 128], strides = [1, 1]} : vector<1024x2048xf32> to vector<1024x128xf32>
    %reduce_max3A_73 = arith.constant dense<0xFF800000> : vector<1024xf32>
    %reduce_max3A_74 = vector.multi_reduction <maximumf>, %slice3A_72, %reduce_max3A_73 [1] : vector<1024x128xf32> to vector<1024xf32>
    %broadcast_in_dim3A_75 = vector.shape_cast %reduce_max3A_74 : vector<1024xf32> to vector<1024x1xf32>
    %slice3A_76 = vector.extract_strided_slice %select_n3A {offsets = [0, 1536], sizes = [1024, 128], strides = [1, 1]} : vector<1024x2048xf32> to vector<1024x128xf32>
    %reduce_max3A_77 = arith.constant dense<0xFF800000> : vector<1024xf32>
    %reduce_max3A_78 = vector.multi_reduction <maximumf>, %slice3A_76, %reduce_max3A_77 [1] : vector<1024x128xf32> to vector<1024xf32>
    %broadcast_in_dim3A_79 = vector.shape_cast %reduce_max3A_78 : vector<1024xf32> to vector<1024x1xf32>
    %slice3A_80 = vector.extract_strided_slice %select_n3A {offsets = [0, 1664], sizes = [1024, 128], strides = [1, 1]} : vector<1024x2048xf32> to vector<1024x128xf32>
    %reduce_max3A_81 = arith.constant dense<0xFF800000> : vector<1024xf32>
    %reduce_max3A_82 = vector.multi_reduction <maximumf>, %slice3A_80, %reduce_max3A_81 [1] : vector<1024x128xf32> to vector<1024xf32>
    %broadcast_in_dim3A_83 = vector.shape_cast %reduce_max3A_82 : vector<1024xf32> to vector<1024x1xf32>
    %slice3A_84 = vector.extract_strided_slice %select_n3A {offsets = [0, 1792], sizes = [1024, 128], strides = [1, 1]} : vector<1024x2048xf32> to vector<1024x128xf32>
    %reduce_max3A_85 = arith.constant dense<0xFF800000> : vector<1024xf32>
    %reduce_max3A_86 = vector.multi_reduction <maximumf>, %slice3A_84, %reduce_max3A_85 [1] : vector<1024x128xf32> to vector<1024xf32>
    %broadcast_in_dim3A_87 = vector.shape_cast %reduce_max3A_86 : vector<1024xf32> to vector<1024x1xf32>
    %slice3A_88 = vector.extract_strided_slice %select_n3A {offsets = [0, 1920], sizes = [1024, 128], strides = [1, 1]} : vector<1024x2048xf32> to vector<1024x128xf32>
    %reduce_max3A_89 = arith.constant dense<0xFF800000> : vector<1024xf32>
    %reduce_max3A_90 = vector.multi_reduction <maximumf>, %slice3A_88, %reduce_max3A_89 [1] : vector<1024x128xf32> to vector<1024xf32>
    %broadcast_in_dim3A_91 = vector.shape_cast %reduce_max3A_90 : vector<1024xf32> to vector<1024x1xf32>
    %concatenate3A = tpu.concatenate %broadcast_in_dim3A_31, %broadcast_in_dim3A_35, %broadcast_in_dim3A_39, %broadcast_in_dim3A_43, %broadcast_in_dim3A_47, %broadcast_in_dim3A_51, %broadcast_in_dim3A_55, %broadcast_in_dim3A_59, %broadcast_in_dim3A_63, %broadcast_in_dim3A_67, %broadcast_in_dim3A_71, %broadcast_in_dim3A_75, %broadcast_in_dim3A_79, %broadcast_in_dim3A_83, %broadcast_in_dim3A_87, %broadcast_in_dim3A_91 in 1 : vector<1024x1xf32>, vector<1024x1xf32>, vector<1024x1xf32>, vector<1024x1xf32>, vector<1024x1xf32>, vector<1024x1xf32>, vector<1024x1xf32>, vector<1024x1xf32>, vector<1024x1xf32>, vector<1024x1xf32>, vector<1024x1xf32>, vector<1024x1xf32>, vector<1024x1xf32>, vector<1024x1xf32>, vector<1024x1xf32>, vector<1024x1xf32> -> vector<1024x16xf32>
    %reshape3A = vector.shape_cast %concatenate3A : vector<1024x16xf32> to vector<1x1024x16xf32>
    %swap3A_92 = arith.constant 0 : index
    %swap3A_93 = arith.constant 0 : index
    %swap3A_94 = arith.constant 0 : index
    %swap3A_95 = vector.load %arg4[%swap3A_92, %swap3A_93, %swap3A_94] : memref<1x1024x16xf32, #tpu.memory_space<vmem>>, vector<1x1024x16xf32>
    tpu.vector_store %arg4[%swap3A_92, %swap3A_93, %swap3A_94], %reshape3A {strides = array<i32>} : memref<1x1024x16xf32, #tpu.memory_space<vmem>>, vector<1x1024x16xf32>,
    return
  }
  func.func @transform_0(%arg0: i32) -> (i32, i32) {
    %c0_i32 = arith.constant 0 : i32
    %c0_i32_0 = arith.constant 0 : i32
    %c0_i32_1 = arith.constant 0 : i32
    return %c0_i32, %c0_i32_0 : i32, i32
  }
  func.func @transform_1(%arg0: i32) -> (i32, i32) {
    %c0_i32 = arith.constant 0 : i32
    %c0_i32_0 = arith.constant 0 : i32
    return %arg0, %c0_i32 : i32, i32
  }
  func.func @transform_2(%arg0: i32) -> (i32, i32) {
    %c0_i32 = arith.constant 0 : i32
    %c0_i32_0 = arith.constant 0 : i32
    return %c0_i32, %arg0 : i32, i32
  }
  func.func @transform_3(%arg0: i32) -> (i32, i32, i32) {
    %c0_i32 = arith.constant 0 : i32
    %c0_i32_0 = arith.constant 0 : i32
    %c0_i32_1 = arith.constant 0 : i32
    return %arg0, %c0_i32, %c0_i32_0 : i32, i32, i32
  }
}

module attributes {stable_mosaic.version = 14 : i64} {
  func.func @_select_body(%arg0: i32, %arg1: memref<256x784xf32, #tpu.memory_space<vmem>>, %arg2: memref<256x16xi32, #tpu.memory_space<vmem>>, %arg3: memref<256x16xi32, #tpu.memory_space<vmem>>) attributes {dimension_semantics = [#tpu.dimension_semantics<arbitrary>], iteration_bounds = array<i64: 4>, scalar_prefetch = 0 : i64, scratch_operands = 0 : i64, tpu.core_type = #tpu.core_type<tc>, window_params = [{transform_indices = @transform_0, window_bounds = array<i64: 256, 784>}, {transform_indices = @transform_1, window_bounds = array<i64: 256, 16>}, {transform_indices = @transform_2, window_bounds = array<i64: 256, 16>}]} {
    %get3A = arith.constant 0 : index
    %get3A_0 = arith.constant 0 : index
    %get3A_1 = vector.load %arg1[%get3A, %get3A_0] : memref<256x784xf32, #tpu.memory_space<vmem>>, vector<256x784xf32>
    %iota3A = tpu.iota {dimensions = array<i32: 1>} : vector<256x784xi32>
    %reduce_max3A = arith.constant dense<0xFF800000> : vector<256xf32>
    %reduce_max3A_2 = vector.multi_reduction <maximumf>, %get3A_1, %reduce_max3A [1] : vector<256x784xf32> to vector<256xf32>
    %broadcast_in_dim3A = vector.shape_cast %reduce_max3A_2 : vector<256xf32> to vector<256x1xf32>
    %eq3A = vector.broadcast %broadcast_in_dim3A : vector<256x1xf32> to vector<256x784xf32>
    %eq3A_3 = arith.cmpf oeq, %get3A_1, %eq3A : vector<256x784xf32>
    %jit3A = arith.constant 1073741824 : i32
    %broadcast_in_dim3A_4 = vector.broadcast %jit3A : i32 to vector<256x784xi32>
    %select_n3A = arith.select %eq3A_3, %iota3A, %broadcast_in_dim3A_4 : vector<256x784xi1>, vector<256x784xi32>
    %reduce_min3A = arith.constant dense<2147483647> : vector<256xi32>
    %reduce_min3A_5 = vector.multi_reduction <minsi>, %select_n3A, %reduce_min3A [1] : vector<256x784xi32> to vector<256xi32>
    %broadcast_in_dim3A_6 = vector.shape_cast %reduce_min3A_5 : vector<256xi32> to vector<256x1xi32>
    %eq3A_7 = vector.broadcast %broadcast_in_dim3A_6 : vector<256x1xi32> to vector<256x784xi32>
    %eq3A_8 = arith.cmpi eq, %iota3A, %eq3A_7 : vector<256x784xi32>
    %jit3A_9 = arith.constant -3.000000e+38 : f32
    %broadcast_in_dim3A_10 = vector.broadcast %jit3A_9 : f32 to vector<256x784xf32>
    %select_n3A_11 = arith.select %eq3A_8, %broadcast_in_dim3A_10, %get3A_1 : vector<256x784xi1>, vector<256x784xf32>
    %reduce_max3A_12 = arith.constant dense<0xFF800000> : vector<256xf32>
    %reduce_max3A_13 = vector.multi_reduction <maximumf>, %select_n3A_11, %reduce_max3A_12 [1] : vector<256x784xf32> to vector<256xf32>
    %broadcast_in_dim3A_14 = vector.shape_cast %reduce_max3A_13 : vector<256xf32> to vector<256x1xf32>
    %eq3A_15 = vector.broadcast %broadcast_in_dim3A_14 : vector<256x1xf32> to vector<256x784xf32>
    %eq3A_16 = arith.cmpf oeq, %select_n3A_11, %eq3A_15 : vector<256x784xf32>
    %jit3A_17 = arith.constant 1073741824 : i32
    %broadcast_in_dim3A_18 = vector.broadcast %jit3A_17 : i32 to vector<256x784xi32>
    %select_n3A_19 = arith.select %eq3A_16, %iota3A, %broadcast_in_dim3A_18 : vector<256x784xi1>, vector<256x784xi32>
    %reduce_min3A_20 = arith.constant dense<2147483647> : vector<256xi32>
    %reduce_min3A_21 = vector.multi_reduction <minsi>, %select_n3A_19, %reduce_min3A_20 [1] : vector<256x784xi32> to vector<256xi32>
    %broadcast_in_dim3A_22 = vector.shape_cast %reduce_min3A_21 : vector<256xi32> to vector<256x1xi32>
    %eq3A_23 = vector.broadcast %broadcast_in_dim3A_22 : vector<256x1xi32> to vector<256x784xi32>
    %eq3A_24 = arith.cmpi eq, %iota3A, %eq3A_23 : vector<256x784xi32>
    %jit3A_25 = arith.constant -3.000000e+38 : f32
    %broadcast_in_dim3A_26 = vector.broadcast %jit3A_25 : f32 to vector<256x784xf32>
    %select_n3A_27 = arith.select %eq3A_24, %broadcast_in_dim3A_26, %select_n3A_11 : vector<256x784xi1>, vector<256x784xf32>
    %reduce_max3A_28 = arith.constant dense<0xFF800000> : vector<256xf32>
    %reduce_max3A_29 = vector.multi_reduction <maximumf>, %select_n3A_27, %reduce_max3A_28 [1] : vector<256x784xf32> to vector<256xf32>
    %broadcast_in_dim3A_30 = vector.shape_cast %reduce_max3A_29 : vector<256xf32> to vector<256x1xf32>
    %eq3A_31 = vector.broadcast %broadcast_in_dim3A_30 : vector<256x1xf32> to vector<256x784xf32>
    %eq3A_32 = arith.cmpf oeq, %select_n3A_27, %eq3A_31 : vector<256x784xf32>
    %jit3A_33 = arith.constant 1073741824 : i32
    %broadcast_in_dim3A_34 = vector.broadcast %jit3A_33 : i32 to vector<256x784xi32>
    %select_n3A_35 = arith.select %eq3A_32, %iota3A, %broadcast_in_dim3A_34 : vector<256x784xi1>, vector<256x784xi32>
    %reduce_min3A_36 = arith.constant dense<2147483647> : vector<256xi32>
    %reduce_min3A_37 = vector.multi_reduction <minsi>, %select_n3A_35, %reduce_min3A_36 [1] : vector<256x784xi32> to vector<256xi32>
    %broadcast_in_dim3A_38 = vector.shape_cast %reduce_min3A_37 : vector<256xi32> to vector<256x1xi32>
    %eq3A_39 = vector.broadcast %broadcast_in_dim3A_38 : vector<256x1xi32> to vector<256x784xi32>
    %eq3A_40 = arith.cmpi eq, %iota3A, %eq3A_39 : vector<256x784xi32>
    %jit3A_41 = arith.constant -3.000000e+38 : f32
    %broadcast_in_dim3A_42 = vector.broadcast %jit3A_41 : f32 to vector<256x784xf32>
    %select_n3A_43 = arith.select %eq3A_40, %broadcast_in_dim3A_42, %select_n3A_27 : vector<256x784xi1>, vector<256x784xf32>
    %reduce_max3A_44 = arith.constant dense<0xFF800000> : vector<256xf32>
    %reduce_max3A_45 = vector.multi_reduction <maximumf>, %select_n3A_43, %reduce_max3A_44 [1] : vector<256x784xf32> to vector<256xf32>
    %broadcast_in_dim3A_46 = vector.shape_cast %reduce_max3A_45 : vector<256xf32> to vector<256x1xf32>
    %eq3A_47 = vector.broadcast %broadcast_in_dim3A_46 : vector<256x1xf32> to vector<256x784xf32>
    %eq3A_48 = arith.cmpf oeq, %select_n3A_43, %eq3A_47 : vector<256x784xf32>
    %jit3A_49 = arith.constant 1073741824 : i32
    %broadcast_in_dim3A_50 = vector.broadcast %jit3A_49 : i32 to vector<256x784xi32>
    %select_n3A_51 = arith.select %eq3A_48, %iota3A, %broadcast_in_dim3A_50 : vector<256x784xi1>, vector<256x784xi32>
    %reduce_min3A_52 = arith.constant dense<2147483647> : vector<256xi32>
    %reduce_min3A_53 = vector.multi_reduction <minsi>, %select_n3A_51, %reduce_min3A_52 [1] : vector<256x784xi32> to vector<256xi32>
    %broadcast_in_dim3A_54 = vector.shape_cast %reduce_min3A_53 : vector<256xi32> to vector<256x1xi32>
    %eq3A_55 = vector.broadcast %broadcast_in_dim3A_54 : vector<256x1xi32> to vector<256x784xi32>
    %eq3A_56 = arith.cmpi eq, %iota3A, %eq3A_55 : vector<256x784xi32>
    %jit3A_57 = arith.constant -3.000000e+38 : f32
    %broadcast_in_dim3A_58 = vector.broadcast %jit3A_57 : f32 to vector<256x784xf32>
    %select_n3A_59 = arith.select %eq3A_56, %broadcast_in_dim3A_58, %select_n3A_43 : vector<256x784xi1>, vector<256x784xf32>
    %reduce_max3A_60 = arith.constant dense<0xFF800000> : vector<256xf32>
    %reduce_max3A_61 = vector.multi_reduction <maximumf>, %select_n3A_59, %reduce_max3A_60 [1] : vector<256x784xf32> to vector<256xf32>
    %broadcast_in_dim3A_62 = vector.shape_cast %reduce_max3A_61 : vector<256xf32> to vector<256x1xf32>
    %eq3A_63 = vector.broadcast %broadcast_in_dim3A_62 : vector<256x1xf32> to vector<256x784xf32>
    %eq3A_64 = arith.cmpf oeq, %select_n3A_59, %eq3A_63 : vector<256x784xf32>
    %jit3A_65 = arith.constant 1073741824 : i32
    %broadcast_in_dim3A_66 = vector.broadcast %jit3A_65 : i32 to vector<256x784xi32>
    %select_n3A_67 = arith.select %eq3A_64, %iota3A, %broadcast_in_dim3A_66 : vector<256x784xi1>, vector<256x784xi32>
    %reduce_min3A_68 = arith.constant dense<2147483647> : vector<256xi32>
    %reduce_min3A_69 = vector.multi_reduction <minsi>, %select_n3A_67, %reduce_min3A_68 [1] : vector<256x784xi32> to vector<256xi32>
    %broadcast_in_dim3A_70 = vector.shape_cast %reduce_min3A_69 : vector<256xi32> to vector<256x1xi32>
    %eq3A_71 = vector.broadcast %broadcast_in_dim3A_70 : vector<256x1xi32> to vector<256x784xi32>
    %eq3A_72 = arith.cmpi eq, %iota3A, %eq3A_71 : vector<256x784xi32>
    %jit3A_73 = arith.constant -3.000000e+38 : f32
    %broadcast_in_dim3A_74 = vector.broadcast %jit3A_73 : f32 to vector<256x784xf32>
    %select_n3A_75 = arith.select %eq3A_72, %broadcast_in_dim3A_74, %select_n3A_59 : vector<256x784xi1>, vector<256x784xf32>
    %reduce_max3A_76 = arith.constant dense<0xFF800000> : vector<256xf32>
    %reduce_max3A_77 = vector.multi_reduction <maximumf>, %select_n3A_75, %reduce_max3A_76 [1] : vector<256x784xf32> to vector<256xf32>
    %broadcast_in_dim3A_78 = vector.shape_cast %reduce_max3A_77 : vector<256xf32> to vector<256x1xf32>
    %eq3A_79 = vector.broadcast %broadcast_in_dim3A_78 : vector<256x1xf32> to vector<256x784xf32>
    %eq3A_80 = arith.cmpf oeq, %select_n3A_75, %eq3A_79 : vector<256x784xf32>
    %jit3A_81 = arith.constant 1073741824 : i32
    %broadcast_in_dim3A_82 = vector.broadcast %jit3A_81 : i32 to vector<256x784xi32>
    %select_n3A_83 = arith.select %eq3A_80, %iota3A, %broadcast_in_dim3A_82 : vector<256x784xi1>, vector<256x784xi32>
    %reduce_min3A_84 = arith.constant dense<2147483647> : vector<256xi32>
    %reduce_min3A_85 = vector.multi_reduction <minsi>, %select_n3A_83, %reduce_min3A_84 [1] : vector<256x784xi32> to vector<256xi32>
    %broadcast_in_dim3A_86 = vector.shape_cast %reduce_min3A_85 : vector<256xi32> to vector<256x1xi32>
    %eq3A_87 = vector.broadcast %broadcast_in_dim3A_86 : vector<256x1xi32> to vector<256x784xi32>
    %eq3A_88 = arith.cmpi eq, %iota3A, %eq3A_87 : vector<256x784xi32>
    %jit3A_89 = arith.constant -3.000000e+38 : f32
    %broadcast_in_dim3A_90 = vector.broadcast %jit3A_89 : f32 to vector<256x784xf32>
    %select_n3A_91 = arith.select %eq3A_88, %broadcast_in_dim3A_90, %select_n3A_75 : vector<256x784xi1>, vector<256x784xf32>
    %reduce_max3A_92 = arith.constant dense<0xFF800000> : vector<256xf32>
    %reduce_max3A_93 = vector.multi_reduction <maximumf>, %select_n3A_91, %reduce_max3A_92 [1] : vector<256x784xf32> to vector<256xf32>
    %broadcast_in_dim3A_94 = vector.shape_cast %reduce_max3A_93 : vector<256xf32> to vector<256x1xf32>
    %eq3A_95 = vector.broadcast %broadcast_in_dim3A_94 : vector<256x1xf32> to vector<256x784xf32>
    %eq3A_96 = arith.cmpf oeq, %select_n3A_91, %eq3A_95 : vector<256x784xf32>
    %jit3A_97 = arith.constant 1073741824 : i32
    %broadcast_in_dim3A_98 = vector.broadcast %jit3A_97 : i32 to vector<256x784xi32>
    %select_n3A_99 = arith.select %eq3A_96, %iota3A, %broadcast_in_dim3A_98 : vector<256x784xi1>, vector<256x784xi32>
    %reduce_min3A_100 = arith.constant dense<2147483647> : vector<256xi32>
    %reduce_min3A_101 = vector.multi_reduction <minsi>, %select_n3A_99, %reduce_min3A_100 [1] : vector<256x784xi32> to vector<256xi32>
    %broadcast_in_dim3A_102 = vector.shape_cast %reduce_min3A_101 : vector<256xi32> to vector<256x1xi32>
    %eq3A_103 = vector.broadcast %broadcast_in_dim3A_102 : vector<256x1xi32> to vector<256x784xi32>
    %eq3A_104 = arith.cmpi eq, %iota3A, %eq3A_103 : vector<256x784xi32>
    %jit3A_105 = arith.constant -3.000000e+38 : f32
    %broadcast_in_dim3A_106 = vector.broadcast %jit3A_105 : f32 to vector<256x784xf32>
    %select_n3A_107 = arith.select %eq3A_104, %broadcast_in_dim3A_106, %select_n3A_91 : vector<256x784xi1>, vector<256x784xf32>
    %reduce_max3A_108 = arith.constant dense<0xFF800000> : vector<256xf32>
    %reduce_max3A_109 = vector.multi_reduction <maximumf>, %select_n3A_107, %reduce_max3A_108 [1] : vector<256x784xf32> to vector<256xf32>
    %broadcast_in_dim3A_110 = vector.shape_cast %reduce_max3A_109 : vector<256xf32> to vector<256x1xf32>
    %eq3A_111 = vector.broadcast %broadcast_in_dim3A_110 : vector<256x1xf32> to vector<256x784xf32>
    %eq3A_112 = arith.cmpf oeq, %select_n3A_107, %eq3A_111 : vector<256x784xf32>
    %jit3A_113 = arith.constant 1073741824 : i32
    %broadcast_in_dim3A_114 = vector.broadcast %jit3A_113 : i32 to vector<256x784xi32>
    %select_n3A_115 = arith.select %eq3A_112, %iota3A, %broadcast_in_dim3A_114 : vector<256x784xi1>, vector<256x784xi32>
    %reduce_min3A_116 = arith.constant dense<2147483647> : vector<256xi32>
    %reduce_min3A_117 = vector.multi_reduction <minsi>, %select_n3A_115, %reduce_min3A_116 [1] : vector<256x784xi32> to vector<256xi32>
    %broadcast_in_dim3A_118 = vector.shape_cast %reduce_min3A_117 : vector<256xi32> to vector<256x1xi32>
    %eq3A_119 = vector.broadcast %broadcast_in_dim3A_118 : vector<256x1xi32> to vector<256x784xi32>
    %eq3A_120 = arith.cmpi eq, %iota3A, %eq3A_119 : vector<256x784xi32>
    %jit3A_121 = arith.constant -3.000000e+38 : f32
    %broadcast_in_dim3A_122 = vector.broadcast %jit3A_121 : f32 to vector<256x784xf32>
    %select_n3A_123 = arith.select %eq3A_120, %broadcast_in_dim3A_122, %select_n3A_107 : vector<256x784xi1>, vector<256x784xf32>
    %reduce_max3A_124 = arith.constant dense<0xFF800000> : vector<256xf32>
    %reduce_max3A_125 = vector.multi_reduction <maximumf>, %select_n3A_123, %reduce_max3A_124 [1] : vector<256x784xf32> to vector<256xf32>
    %broadcast_in_dim3A_126 = vector.shape_cast %reduce_max3A_125 : vector<256xf32> to vector<256x1xf32>
    %eq3A_127 = vector.broadcast %broadcast_in_dim3A_126 : vector<256x1xf32> to vector<256x784xf32>
    %eq3A_128 = arith.cmpf oeq, %select_n3A_123, %eq3A_127 : vector<256x784xf32>
    %jit3A_129 = arith.constant 1073741824 : i32
    %broadcast_in_dim3A_130 = vector.broadcast %jit3A_129 : i32 to vector<256x784xi32>
    %select_n3A_131 = arith.select %eq3A_128, %iota3A, %broadcast_in_dim3A_130 : vector<256x784xi1>, vector<256x784xi32>
    %reduce_min3A_132 = arith.constant dense<2147483647> : vector<256xi32>
    %reduce_min3A_133 = vector.multi_reduction <minsi>, %select_n3A_131, %reduce_min3A_132 [1] : vector<256x784xi32> to vector<256xi32>
    %broadcast_in_dim3A_134 = vector.shape_cast %reduce_min3A_133 : vector<256xi32> to vector<256x1xi32>
    %eq3A_135 = vector.broadcast %broadcast_in_dim3A_134 : vector<256x1xi32> to vector<256x784xi32>
    %eq3A_136 = arith.cmpi eq, %iota3A, %eq3A_135 : vector<256x784xi32>
    %jit3A_137 = arith.constant -3.000000e+38 : f32
    %broadcast_in_dim3A_138 = vector.broadcast %jit3A_137 : f32 to vector<256x784xf32>
    %select_n3A_139 = arith.select %eq3A_136, %broadcast_in_dim3A_138, %select_n3A_123 : vector<256x784xi1>, vector<256x784xf32>
    %reduce_max3A_140 = arith.constant dense<0xFF800000> : vector<256xf32>
    %reduce_max3A_141 = vector.multi_reduction <maximumf>, %select_n3A_139, %reduce_max3A_140 [1] : vector<256x784xf32> to vector<256xf32>
    %broadcast_in_dim3A_142 = vector.shape_cast %reduce_max3A_141 : vector<256xf32> to vector<256x1xf32>
    %eq3A_143 = vector.broadcast %broadcast_in_dim3A_142 : vector<256x1xf32> to vector<256x784xf32>
    %eq3A_144 = arith.cmpf oeq, %select_n3A_139, %eq3A_143 : vector<256x784xf32>
    %jit3A_145 = arith.constant 1073741824 : i32
    %broadcast_in_dim3A_146 = vector.broadcast %jit3A_145 : i32 to vector<256x784xi32>
    %select_n3A_147 = arith.select %eq3A_144, %iota3A, %broadcast_in_dim3A_146 : vector<256x784xi1>, vector<256x784xi32>
    %reduce_min3A_148 = arith.constant dense<2147483647> : vector<256xi32>
    %reduce_min3A_149 = vector.multi_reduction <minsi>, %select_n3A_147, %reduce_min3A_148 [1] : vector<256x784xi32> to vector<256xi32>
    %broadcast_in_dim3A_150 = vector.shape_cast %reduce_min3A_149 : vector<256xi32> to vector<256x1xi32>
    %eq3A_151 = vector.broadcast %broadcast_in_dim3A_150 : vector<256x1xi32> to vector<256x784xi32>
    %eq3A_152 = arith.cmpi eq, %iota3A, %eq3A_151 : vector<256x784xi32>
    %jit3A_153 = arith.constant -3.000000e+38 : f32
    %broadcast_in_dim3A_154 = vector.broadcast %jit3A_153 : f32 to vector<256x784xf32>
    %select_n3A_155 = arith.select %eq3A_152, %broadcast_in_dim3A_154, %select_n3A_139 : vector<256x784xi1>, vector<256x784xf32>
    %reduce_max3A_156 = arith.constant dense<0xFF800000> : vector<256xf32>
    %reduce_max3A_157 = vector.multi_reduction <maximumf>, %select_n3A_155, %reduce_max3A_156 [1] : vector<256x784xf32> to vector<256xf32>
    %broadcast_in_dim3A_158 = vector.shape_cast %reduce_max3A_157 : vector<256xf32> to vector<256x1xf32>
    %eq3A_159 = vector.broadcast %broadcast_in_dim3A_158 : vector<256x1xf32> to vector<256x784xf32>
    %eq3A_160 = arith.cmpf oeq, %select_n3A_155, %eq3A_159 : vector<256x784xf32>
    %jit3A_161 = arith.constant 1073741824 : i32
    %broadcast_in_dim3A_162 = vector.broadcast %jit3A_161 : i32 to vector<256x784xi32>
    %select_n3A_163 = arith.select %eq3A_160, %iota3A, %broadcast_in_dim3A_162 : vector<256x784xi1>, vector<256x784xi32>
    %reduce_min3A_164 = arith.constant dense<2147483647> : vector<256xi32>
    %reduce_min3A_165 = vector.multi_reduction <minsi>, %select_n3A_163, %reduce_min3A_164 [1] : vector<256x784xi32> to vector<256xi32>
    %broadcast_in_dim3A_166 = vector.shape_cast %reduce_min3A_165 : vector<256xi32> to vector<256x1xi32>
    %eq3A_167 = vector.broadcast %broadcast_in_dim3A_166 : vector<256x1xi32> to vector<256x784xi32>
    %eq3A_168 = arith.cmpi eq, %iota3A, %eq3A_167 : vector<256x784xi32>
    %jit3A_169 = arith.constant -3.000000e+38 : f32
    %broadcast_in_dim3A_170 = vector.broadcast %jit3A_169 : f32 to vector<256x784xf32>
    %select_n3A_171 = arith.select %eq3A_168, %broadcast_in_dim3A_170, %select_n3A_155 : vector<256x784xi1>, vector<256x784xf32>
    %reduce_max3A_172 = arith.constant dense<0xFF800000> : vector<256xf32>
    %reduce_max3A_173 = vector.multi_reduction <maximumf>, %select_n3A_171, %reduce_max3A_172 [1] : vector<256x784xf32> to vector<256xf32>
    %broadcast_in_dim3A_174 = vector.shape_cast %reduce_max3A_173 : vector<256xf32> to vector<256x1xf32>
    %eq3A_175 = vector.broadcast %broadcast_in_dim3A_174 : vector<256x1xf32> to vector<256x784xf32>
    %eq3A_176 = arith.cmpf oeq, %select_n3A_171, %eq3A_175 : vector<256x784xf32>
    %jit3A_177 = arith.constant 1073741824 : i32
    %broadcast_in_dim3A_178 = vector.broadcast %jit3A_177 : i32 to vector<256x784xi32>
    %select_n3A_179 = arith.select %eq3A_176, %iota3A, %broadcast_in_dim3A_178 : vector<256x784xi1>, vector<256x784xi32>
    %reduce_min3A_180 = arith.constant dense<2147483647> : vector<256xi32>
    %reduce_min3A_181 = vector.multi_reduction <minsi>, %select_n3A_179, %reduce_min3A_180 [1] : vector<256x784xi32> to vector<256xi32>
    %broadcast_in_dim3A_182 = vector.shape_cast %reduce_min3A_181 : vector<256xi32> to vector<256x1xi32>
    %eq3A_183 = vector.broadcast %broadcast_in_dim3A_182 : vector<256x1xi32> to vector<256x784xi32>
    %eq3A_184 = arith.cmpi eq, %iota3A, %eq3A_183 : vector<256x784xi32>
    %jit3A_185 = arith.constant -3.000000e+38 : f32
    %broadcast_in_dim3A_186 = vector.broadcast %jit3A_185 : f32 to vector<256x784xf32>
    %select_n3A_187 = arith.select %eq3A_184, %broadcast_in_dim3A_186, %select_n3A_171 : vector<256x784xi1>, vector<256x784xf32>
    %reduce_max3A_188 = arith.constant dense<0xFF800000> : vector<256xf32>
    %reduce_max3A_189 = vector.multi_reduction <maximumf>, %select_n3A_187, %reduce_max3A_188 [1] : vector<256x784xf32> to vector<256xf32>
    %broadcast_in_dim3A_190 = vector.shape_cast %reduce_max3A_189 : vector<256xf32> to vector<256x1xf32>
    %eq3A_191 = vector.broadcast %broadcast_in_dim3A_190 : vector<256x1xf32> to vector<256x784xf32>
    %eq3A_192 = arith.cmpf oeq, %select_n3A_187, %eq3A_191 : vector<256x784xf32>
    %jit3A_193 = arith.constant 1073741824 : i32
    %broadcast_in_dim3A_194 = vector.broadcast %jit3A_193 : i32 to vector<256x784xi32>
    %select_n3A_195 = arith.select %eq3A_192, %iota3A, %broadcast_in_dim3A_194 : vector<256x784xi1>, vector<256x784xi32>
    %reduce_min3A_196 = arith.constant dense<2147483647> : vector<256xi32>
    %reduce_min3A_197 = vector.multi_reduction <minsi>, %select_n3A_195, %reduce_min3A_196 [1] : vector<256x784xi32> to vector<256xi32>
    %broadcast_in_dim3A_198 = vector.shape_cast %reduce_min3A_197 : vector<256xi32> to vector<256x1xi32>
    %eq3A_199 = vector.broadcast %broadcast_in_dim3A_198 : vector<256x1xi32> to vector<256x784xi32>
    %eq3A_200 = arith.cmpi eq, %iota3A, %eq3A_199 : vector<256x784xi32>
    %jit3A_201 = arith.constant -3.000000e+38 : f32
    %broadcast_in_dim3A_202 = vector.broadcast %jit3A_201 : f32 to vector<256x784xf32>
    %select_n3A_203 = arith.select %eq3A_200, %broadcast_in_dim3A_202, %select_n3A_187 : vector<256x784xi1>, vector<256x784xf32>
    %reduce_max3A_204 = arith.constant dense<0xFF800000> : vector<256xf32>
    %reduce_max3A_205 = vector.multi_reduction <maximumf>, %select_n3A_203, %reduce_max3A_204 [1] : vector<256x784xf32> to vector<256xf32>
    %broadcast_in_dim3A_206 = vector.shape_cast %reduce_max3A_205 : vector<256xf32> to vector<256x1xf32>
    %eq3A_207 = vector.broadcast %broadcast_in_dim3A_206 : vector<256x1xf32> to vector<256x784xf32>
    %eq3A_208 = arith.cmpf oeq, %select_n3A_203, %eq3A_207 : vector<256x784xf32>
    %jit3A_209 = arith.constant 1073741824 : i32
    %broadcast_in_dim3A_210 = vector.broadcast %jit3A_209 : i32 to vector<256x784xi32>
    %select_n3A_211 = arith.select %eq3A_208, %iota3A, %broadcast_in_dim3A_210 : vector<256x784xi1>, vector<256x784xi32>
    %reduce_min3A_212 = arith.constant dense<2147483647> : vector<256xi32>
    %reduce_min3A_213 = vector.multi_reduction <minsi>, %select_n3A_211, %reduce_min3A_212 [1] : vector<256x784xi32> to vector<256xi32>
    %broadcast_in_dim3A_214 = vector.shape_cast %reduce_min3A_213 : vector<256xi32> to vector<256x1xi32>
    %eq3A_215 = vector.broadcast %broadcast_in_dim3A_214 : vector<256x1xi32> to vector<256x784xi32>
    %eq3A_216 = arith.cmpi eq, %iota3A, %eq3A_215 : vector<256x784xi32>
    %jit3A_217 = arith.constant -3.000000e+38 : f32
    %broadcast_in_dim3A_218 = vector.broadcast %jit3A_217 : f32 to vector<256x784xf32>
    %select_n3A_219 = arith.select %eq3A_216, %broadcast_in_dim3A_218, %select_n3A_203 : vector<256x784xi1>, vector<256x784xf32>
    %reduce_max3A_220 = arith.constant dense<0xFF800000> : vector<256xf32>
    %reduce_max3A_221 = vector.multi_reduction <maximumf>, %select_n3A_219, %reduce_max3A_220 [1] : vector<256x784xf32> to vector<256xf32>
    %broadcast_in_dim3A_222 = vector.shape_cast %reduce_max3A_221 : vector<256xf32> to vector<256x1xf32>
    %eq3A_223 = vector.broadcast %broadcast_in_dim3A_222 : vector<256x1xf32> to vector<256x784xf32>
    %eq3A_224 = arith.cmpf oeq, %select_n3A_219, %eq3A_223 : vector<256x784xf32>
    %jit3A_225 = arith.constant 1073741824 : i32
    %broadcast_in_dim3A_226 = vector.broadcast %jit3A_225 : i32 to vector<256x784xi32>
    %select_n3A_227 = arith.select %eq3A_224, %iota3A, %broadcast_in_dim3A_226 : vector<256x784xi1>, vector<256x784xi32>
    %reduce_min3A_228 = arith.constant dense<2147483647> : vector<256xi32>
    %reduce_min3A_229 = vector.multi_reduction <minsi>, %select_n3A_227, %reduce_min3A_228 [1] : vector<256x784xi32> to vector<256xi32>
    %broadcast_in_dim3A_230 = vector.shape_cast %reduce_min3A_229 : vector<256xi32> to vector<256x1xi32>
    %eq3A_231 = vector.broadcast %broadcast_in_dim3A_230 : vector<256x1xi32> to vector<256x784xi32>
    %eq3A_232 = arith.cmpi eq, %iota3A, %eq3A_231 : vector<256x784xi32>
    %jit3A_233 = arith.constant -3.000000e+38 : f32
    %broadcast_in_dim3A_234 = vector.broadcast %jit3A_233 : f32 to vector<256x784xf32>
    %select_n3A_235 = arith.select %eq3A_232, %broadcast_in_dim3A_234, %select_n3A_219 : vector<256x784xi1>, vector<256x784xf32>
    %reduce_max3A_236 = arith.constant dense<0xFF800000> : vector<256xf32>
    %reduce_max3A_237 = vector.multi_reduction <maximumf>, %select_n3A_235, %reduce_max3A_236 [1] : vector<256x784xf32> to vector<256xf32>
    %broadcast_in_dim3A_238 = vector.shape_cast %reduce_max3A_237 : vector<256xf32> to vector<256x1xf32>
    %eq3A_239 = vector.broadcast %broadcast_in_dim3A_238 : vector<256x1xf32> to vector<256x784xf32>
    %eq3A_240 = arith.cmpf oeq, %select_n3A_235, %eq3A_239 : vector<256x784xf32>
    %jit3A_241 = arith.constant 1073741824 : i32
    %broadcast_in_dim3A_242 = vector.broadcast %jit3A_241 : i32 to vector<256x784xi32>
    %select_n3A_243 = arith.select %eq3A_240, %iota3A, %broadcast_in_dim3A_242 : vector<256x784xi1>, vector<256x784xi32>
    %reduce_min3A_244 = arith.constant dense<2147483647> : vector<256xi32>
    %reduce_min3A_245 = vector.multi_reduction <minsi>, %select_n3A_243, %reduce_min3A_244 [1] : vector<256x784xi32> to vector<256xi32>
    %broadcast_in_dim3A_246 = vector.shape_cast %reduce_min3A_245 : vector<256xi32> to vector<256x1xi32>
    %concatenate3A = tpu.concatenate %broadcast_in_dim3A_6, %broadcast_in_dim3A_22, %broadcast_in_dim3A_38, %broadcast_in_dim3A_54, %broadcast_in_dim3A_70, %broadcast_in_dim3A_86, %broadcast_in_dim3A_102, %broadcast_in_dim3A_118, %broadcast_in_dim3A_134, %broadcast_in_dim3A_150, %broadcast_in_dim3A_166, %broadcast_in_dim3A_182, %broadcast_in_dim3A_198, %broadcast_in_dim3A_214, %broadcast_in_dim3A_230, %broadcast_in_dim3A_246 in 1 : vector<256x1xi32>, vector<256x1xi32>, vector<256x1xi32>, vector<256x1xi32>, vector<256x1xi32>, vector<256x1xi32>, vector<256x1xi32>, vector<256x1xi32>, vector<256x1xi32>, vector<256x1xi32>, vector<256x1xi32>, vector<256x1xi32>, vector<256x1xi32>, vector<256x1xi32>, vector<256x1xi32>, vector<256x1xi32> -> vector<256x16xi32>
    %iota3A_247 = tpu.iota {dimensions = array<i32: 1>} : vector<256x16xi32>
    %reduce_min3A_248 = arith.constant dense<2147483647> : vector<256xi32>
    %reduce_min3A_249 = vector.multi_reduction <minsi>, %concatenate3A, %reduce_min3A_248 [1] : vector<256x16xi32> to vector<256xi32>
    %broadcast_in_dim3A_250 = vector.shape_cast %reduce_min3A_249 : vector<256xi32> to vector<256x1xi32>
    %eq3A_251 = vector.broadcast %broadcast_in_dim3A_250 : vector<256x1xi32> to vector<256x16xi32>
    %eq3A_252 = arith.cmpi eq, %concatenate3A, %eq3A_251 : vector<256x16xi32>
    %jit3A_253 = arith.constant 1073741824 : i32
    %broadcast_in_dim3A_254 = vector.broadcast %jit3A_253 : i32 to vector<256x16xi32>
    %select_n3A_255 = arith.select %eq3A_252, %iota3A_247, %broadcast_in_dim3A_254 : vector<256x16xi1>, vector<256x16xi32>
    %reduce_min3A_256 = arith.constant dense<2147483647> : vector<256xi32>
    %reduce_min3A_257 = vector.multi_reduction <minsi>, %select_n3A_255, %reduce_min3A_256 [1] : vector<256x16xi32> to vector<256xi32>
    %broadcast_in_dim3A_258 = vector.shape_cast %reduce_min3A_257 : vector<256xi32> to vector<256x1xi32>
    %eq3A_259 = vector.broadcast %broadcast_in_dim3A_258 : vector<256x1xi32> to vector<256x16xi32>
    %eq3A_260 = arith.cmpi eq, %iota3A_247, %eq3A_259 : vector<256x16xi32>
    %jit3A_261 = arith.constant 1073741824 : i32
    %broadcast_in_dim3A_262 = vector.broadcast %jit3A_261 : i32 to vector<256x16xi32>
    %select_n3A_263 = arith.select %eq3A_260, %broadcast_in_dim3A_262, %concatenate3A : vector<256x16xi1>, vector<256x16xi32>
    %reduce_min3A_264 = arith.constant dense<2147483647> : vector<256xi32>
    %reduce_min3A_265 = vector.multi_reduction <minsi>, %select_n3A_263, %reduce_min3A_264 [1] : vector<256x16xi32> to vector<256xi32>
    %broadcast_in_dim3A_266 = vector.shape_cast %reduce_min3A_265 : vector<256xi32> to vector<256x1xi32>
    %eq3A_267 = vector.broadcast %broadcast_in_dim3A_266 : vector<256x1xi32> to vector<256x16xi32>
    %eq3A_268 = arith.cmpi eq, %select_n3A_263, %eq3A_267 : vector<256x16xi32>
    %jit3A_269 = arith.constant 1073741824 : i32
    %broadcast_in_dim3A_270 = vector.broadcast %jit3A_269 : i32 to vector<256x16xi32>
    %select_n3A_271 = arith.select %eq3A_268, %iota3A_247, %broadcast_in_dim3A_270 : vector<256x16xi1>, vector<256x16xi32>
    %reduce_min3A_272 = arith.constant dense<2147483647> : vector<256xi32>
    %reduce_min3A_273 = vector.multi_reduction <minsi>, %select_n3A_271, %reduce_min3A_272 [1] : vector<256x16xi32> to vector<256xi32>
    %broadcast_in_dim3A_274 = vector.shape_cast %reduce_min3A_273 : vector<256xi32> to vector<256x1xi32>
    %eq3A_275 = vector.broadcast %broadcast_in_dim3A_274 : vector<256x1xi32> to vector<256x16xi32>
    %eq3A_276 = arith.cmpi eq, %iota3A_247, %eq3A_275 : vector<256x16xi32>
    %jit3A_277 = arith.constant 1073741824 : i32
    %broadcast_in_dim3A_278 = vector.broadcast %jit3A_277 : i32 to vector<256x16xi32>
    %select_n3A_279 = arith.select %eq3A_276, %broadcast_in_dim3A_278, %select_n3A_263 : vector<256x16xi1>, vector<256x16xi32>
    %reduce_min3A_280 = arith.constant dense<2147483647> : vector<256xi32>
    %reduce_min3A_281 = vector.multi_reduction <minsi>, %select_n3A_279, %reduce_min3A_280 [1] : vector<256x16xi32> to vector<256xi32>
    %broadcast_in_dim3A_282 = vector.shape_cast %reduce_min3A_281 : vector<256xi32> to vector<256x1xi32>
    %eq3A_283 = vector.broadcast %broadcast_in_dim3A_282 : vector<256x1xi32> to vector<256x16xi32>
    %eq3A_284 = arith.cmpi eq, %select_n3A_279, %eq3A_283 : vector<256x16xi32>
    %jit3A_285 = arith.constant 1073741824 : i32
    %broadcast_in_dim3A_286 = vector.broadcast %jit3A_285 : i32 to vector<256x16xi32>
    %select_n3A_287 = arith.select %eq3A_284, %iota3A_247, %broadcast_in_dim3A_286 : vector<256x16xi1>, vector<256x16xi32>
    %reduce_min3A_288 = arith.constant dense<2147483647> : vector<256xi32>
    %reduce_min3A_289 = vector.multi_reduction <minsi>, %select_n3A_287, %reduce_min3A_288 [1] : vector<256x16xi32> to vector<256xi32>
    %broadcast_in_dim3A_290 = vector.shape_cast %reduce_min3A_289 : vector<256xi32> to vector<256x1xi32>
    %eq3A_291 = vector.broadcast %broadcast_in_dim3A_290 : vector<256x1xi32> to vector<256x16xi32>
    %eq3A_292 = arith.cmpi eq, %iota3A_247, %eq3A_291 : vector<256x16xi32>
    %jit3A_293 = arith.constant 1073741824 : i32
    %broadcast_in_dim3A_294 = vector.broadcast %jit3A_293 : i32 to vector<256x16xi32>
    %select_n3A_295 = arith.select %eq3A_292, %broadcast_in_dim3A_294, %select_n3A_279 : vector<256x16xi1>, vector<256x16xi32>
    %reduce_min3A_296 = arith.constant dense<2147483647> : vector<256xi32>
    %reduce_min3A_297 = vector.multi_reduction <minsi>, %select_n3A_295, %reduce_min3A_296 [1] : vector<256x16xi32> to vector<256xi32>
    %broadcast_in_dim3A_298 = vector.shape_cast %reduce_min3A_297 : vector<256xi32> to vector<256x1xi32>
    %eq3A_299 = vector.broadcast %broadcast_in_dim3A_298 : vector<256x1xi32> to vector<256x16xi32>
    %eq3A_300 = arith.cmpi eq, %select_n3A_295, %eq3A_299 : vector<256x16xi32>
    %jit3A_301 = arith.constant 1073741824 : i32
    %broadcast_in_dim3A_302 = vector.broadcast %jit3A_301 : i32 to vector<256x16xi32>
    %select_n3A_303 = arith.select %eq3A_300, %iota3A_247, %broadcast_in_dim3A_302 : vector<256x16xi1>, vector<256x16xi32>
    %reduce_min3A_304 = arith.constant dense<2147483647> : vector<256xi32>
    %reduce_min3A_305 = vector.multi_reduction <minsi>, %select_n3A_303, %reduce_min3A_304 [1] : vector<256x16xi32> to vector<256xi32>
    %broadcast_in_dim3A_306 = vector.shape_cast %reduce_min3A_305 : vector<256xi32> to vector<256x1xi32>
    %eq3A_307 = vector.broadcast %broadcast_in_dim3A_306 : vector<256x1xi32> to vector<256x16xi32>
    %eq3A_308 = arith.cmpi eq, %iota3A_247, %eq3A_307 : vector<256x16xi32>
    %jit3A_309 = arith.constant 1073741824 : i32
    %broadcast_in_dim3A_310 = vector.broadcast %jit3A_309 : i32 to vector<256x16xi32>
    %select_n3A_311 = arith.select %eq3A_308, %broadcast_in_dim3A_310, %select_n3A_295 : vector<256x16xi1>, vector<256x16xi32>
    %reduce_min3A_312 = arith.constant dense<2147483647> : vector<256xi32>
    %reduce_min3A_313 = vector.multi_reduction <minsi>, %select_n3A_311, %reduce_min3A_312 [1] : vector<256x16xi32> to vector<256xi32>
    %broadcast_in_dim3A_314 = vector.shape_cast %reduce_min3A_313 : vector<256xi32> to vector<256x1xi32>
    %eq3A_315 = vector.broadcast %broadcast_in_dim3A_314 : vector<256x1xi32> to vector<256x16xi32>
    %eq3A_316 = arith.cmpi eq, %select_n3A_311, %eq3A_315 : vector<256x16xi32>
    %jit3A_317 = arith.constant 1073741824 : i32
    %broadcast_in_dim3A_318 = vector.broadcast %jit3A_317 : i32 to vector<256x16xi32>
    %select_n3A_319 = arith.select %eq3A_316, %iota3A_247, %broadcast_in_dim3A_318 : vector<256x16xi1>, vector<256x16xi32>
    %reduce_min3A_320 = arith.constant dense<2147483647> : vector<256xi32>
    %reduce_min3A_321 = vector.multi_reduction <minsi>, %select_n3A_319, %reduce_min3A_320 [1] : vector<256x16xi32> to vector<256xi32>
    %broadcast_in_dim3A_322 = vector.shape_cast %reduce_min3A_321 : vector<256xi32> to vector<256x1xi32>
    %eq3A_323 = vector.broadcast %broadcast_in_dim3A_322 : vector<256x1xi32> to vector<256x16xi32>
    %eq3A_324 = arith.cmpi eq, %iota3A_247, %eq3A_323 : vector<256x16xi32>
    %jit3A_325 = arith.constant 1073741824 : i32
    %broadcast_in_dim3A_326 = vector.broadcast %jit3A_325 : i32 to vector<256x16xi32>
    %select_n3A_327 = arith.select %eq3A_324, %broadcast_in_dim3A_326, %select_n3A_311 : vector<256x16xi1>, vector<256x16xi32>
    %reduce_min3A_328 = arith.constant dense<2147483647> : vector<256xi32>
    %reduce_min3A_329 = vector.multi_reduction <minsi>, %select_n3A_327, %reduce_min3A_328 [1] : vector<256x16xi32> to vector<256xi32>
    %broadcast_in_dim3A_330 = vector.shape_cast %reduce_min3A_329 : vector<256xi32> to vector<256x1xi32>
    %eq3A_331 = vector.broadcast %broadcast_in_dim3A_330 : vector<256x1xi32> to vector<256x16xi32>
    %eq3A_332 = arith.cmpi eq, %select_n3A_327, %eq3A_331 : vector<256x16xi32>
    %jit3A_333 = arith.constant 1073741824 : i32
    %broadcast_in_dim3A_334 = vector.broadcast %jit3A_333 : i32 to vector<256x16xi32>
    %select_n3A_335 = arith.select %eq3A_332, %iota3A_247, %broadcast_in_dim3A_334 : vector<256x16xi1>, vector<256x16xi32>
    %reduce_min3A_336 = arith.constant dense<2147483647> : vector<256xi32>
    %reduce_min3A_337 = vector.multi_reduction <minsi>, %select_n3A_335, %reduce_min3A_336 [1] : vector<256x16xi32> to vector<256xi32>
    %broadcast_in_dim3A_338 = vector.shape_cast %reduce_min3A_337 : vector<256xi32> to vector<256x1xi32>
    %eq3A_339 = vector.broadcast %broadcast_in_dim3A_338 : vector<256x1xi32> to vector<256x16xi32>
    %eq3A_340 = arith.cmpi eq, %iota3A_247, %eq3A_339 : vector<256x16xi32>
    %jit3A_341 = arith.constant 1073741824 : i32
    %broadcast_in_dim3A_342 = vector.broadcast %jit3A_341 : i32 to vector<256x16xi32>
    %select_n3A_343 = arith.select %eq3A_340, %broadcast_in_dim3A_342, %select_n3A_327 : vector<256x16xi1>, vector<256x16xi32>
    %reduce_min3A_344 = arith.constant dense<2147483647> : vector<256xi32>
    %reduce_min3A_345 = vector.multi_reduction <minsi>, %select_n3A_343, %reduce_min3A_344 [1] : vector<256x16xi32> to vector<256xi32>
    %broadcast_in_dim3A_346 = vector.shape_cast %reduce_min3A_345 : vector<256xi32> to vector<256x1xi32>
    %eq3A_347 = vector.broadcast %broadcast_in_dim3A_346 : vector<256x1xi32> to vector<256x16xi32>
    %eq3A_348 = arith.cmpi eq, %select_n3A_343, %eq3A_347 : vector<256x16xi32>
    %jit3A_349 = arith.constant 1073741824 : i32
    %broadcast_in_dim3A_350 = vector.broadcast %jit3A_349 : i32 to vector<256x16xi32>
    %select_n3A_351 = arith.select %eq3A_348, %iota3A_247, %broadcast_in_dim3A_350 : vector<256x16xi1>, vector<256x16xi32>
    %reduce_min3A_352 = arith.constant dense<2147483647> : vector<256xi32>
    %reduce_min3A_353 = vector.multi_reduction <minsi>, %select_n3A_351, %reduce_min3A_352 [1] : vector<256x16xi32> to vector<256xi32>
    %broadcast_in_dim3A_354 = vector.shape_cast %reduce_min3A_353 : vector<256xi32> to vector<256x1xi32>
    %eq3A_355 = vector.broadcast %broadcast_in_dim3A_354 : vector<256x1xi32> to vector<256x16xi32>
    %eq3A_356 = arith.cmpi eq, %iota3A_247, %eq3A_355 : vector<256x16xi32>
    %jit3A_357 = arith.constant 1073741824 : i32
    %broadcast_in_dim3A_358 = vector.broadcast %jit3A_357 : i32 to vector<256x16xi32>
    %select_n3A_359 = arith.select %eq3A_356, %broadcast_in_dim3A_358, %select_n3A_343 : vector<256x16xi1>, vector<256x16xi32>
    %reduce_min3A_360 = arith.constant dense<2147483647> : vector<256xi32>
    %reduce_min3A_361 = vector.multi_reduction <minsi>, %select_n3A_359, %reduce_min3A_360 [1] : vector<256x16xi32> to vector<256xi32>
    %broadcast_in_dim3A_362 = vector.shape_cast %reduce_min3A_361 : vector<256xi32> to vector<256x1xi32>
    %eq3A_363 = vector.broadcast %broadcast_in_dim3A_362 : vector<256x1xi32> to vector<256x16xi32>
    %eq3A_364 = arith.cmpi eq, %select_n3A_359, %eq3A_363 : vector<256x16xi32>
    %jit3A_365 = arith.constant 1073741824 : i32
    %broadcast_in_dim3A_366 = vector.broadcast %jit3A_365 : i32 to vector<256x16xi32>
    %select_n3A_367 = arith.select %eq3A_364, %iota3A_247, %broadcast_in_dim3A_366 : vector<256x16xi1>, vector<256x16xi32>
    %reduce_min3A_368 = arith.constant dense<2147483647> : vector<256xi32>
    %reduce_min3A_369 = vector.multi_reduction <minsi>, %select_n3A_367, %reduce_min3A_368 [1] : vector<256x16xi32> to vector<256xi32>
    %broadcast_in_dim3A_370 = vector.shape_cast %reduce_min3A_369 : vector<256xi32> to vector<256x1xi32>
    %eq3A_371 = vector.broadcast %broadcast_in_dim3A_370 : vector<256x1xi32> to vector<256x16xi32>
    %eq3A_372 = arith.cmpi eq, %iota3A_247, %eq3A_371 : vector<256x16xi32>
    %jit3A_373 = arith.constant 1073741824 : i32
    %broadcast_in_dim3A_374 = vector.broadcast %jit3A_373 : i32 to vector<256x16xi32>
    %select_n3A_375 = arith.select %eq3A_372, %broadcast_in_dim3A_374, %select_n3A_359 : vector<256x16xi1>, vector<256x16xi32>
    %reduce_min3A_376 = arith.constant dense<2147483647> : vector<256xi32>
    %reduce_min3A_377 = vector.multi_reduction <minsi>, %select_n3A_375, %reduce_min3A_376 [1] : vector<256x16xi32> to vector<256xi32>
    %broadcast_in_dim3A_378 = vector.shape_cast %reduce_min3A_377 : vector<256xi32> to vector<256x1xi32>
    %eq3A_379 = vector.broadcast %broadcast_in_dim3A_378 : vector<256x1xi32> to vector<256x16xi32>
    %eq3A_380 = arith.cmpi eq, %select_n3A_375, %eq3A_379 : vector<256x16xi32>
    %jit3A_381 = arith.constant 1073741824 : i32
    %broadcast_in_dim3A_382 = vector.broadcast %jit3A_381 : i32 to vector<256x16xi32>
    %select_n3A_383 = arith.select %eq3A_380, %iota3A_247, %broadcast_in_dim3A_382 : vector<256x16xi1>, vector<256x16xi32>
    %reduce_min3A_384 = arith.constant dense<2147483647> : vector<256xi32>
    %reduce_min3A_385 = vector.multi_reduction <minsi>, %select_n3A_383, %reduce_min3A_384 [1] : vector<256x16xi32> to vector<256xi32>
    %broadcast_in_dim3A_386 = vector.shape_cast %reduce_min3A_385 : vector<256xi32> to vector<256x1xi32>
    %eq3A_387 = vector.broadcast %broadcast_in_dim3A_386 : vector<256x1xi32> to vector<256x16xi32>
    %eq3A_388 = arith.cmpi eq, %iota3A_247, %eq3A_387 : vector<256x16xi32>
    %jit3A_389 = arith.constant 1073741824 : i32
    %broadcast_in_dim3A_390 = vector.broadcast %jit3A_389 : i32 to vector<256x16xi32>
    %select_n3A_391 = arith.select %eq3A_388, %broadcast_in_dim3A_390, %select_n3A_375 : vector<256x16xi1>, vector<256x16xi32>
    %reduce_min3A_392 = arith.constant dense<2147483647> : vector<256xi32>
    %reduce_min3A_393 = vector.multi_reduction <minsi>, %select_n3A_391, %reduce_min3A_392 [1] : vector<256x16xi32> to vector<256xi32>
    %broadcast_in_dim3A_394 = vector.shape_cast %reduce_min3A_393 : vector<256xi32> to vector<256x1xi32>
    %eq3A_395 = vector.broadcast %broadcast_in_dim3A_394 : vector<256x1xi32> to vector<256x16xi32>
    %eq3A_396 = arith.cmpi eq, %select_n3A_391, %eq3A_395 : vector<256x16xi32>
    %jit3A_397 = arith.constant 1073741824 : i32
    %broadcast_in_dim3A_398 = vector.broadcast %jit3A_397 : i32 to vector<256x16xi32>
    %select_n3A_399 = arith.select %eq3A_396, %iota3A_247, %broadcast_in_dim3A_398 : vector<256x16xi1>, vector<256x16xi32>
    %reduce_min3A_400 = arith.constant dense<2147483647> : vector<256xi32>
    %reduce_min3A_401 = vector.multi_reduction <minsi>, %select_n3A_399, %reduce_min3A_400 [1] : vector<256x16xi32> to vector<256xi32>
    %broadcast_in_dim3A_402 = vector.shape_cast %reduce_min3A_401 : vector<256xi32> to vector<256x1xi32>
    %eq3A_403 = vector.broadcast %broadcast_in_dim3A_402 : vector<256x1xi32> to vector<256x16xi32>
    %eq3A_404 = arith.cmpi eq, %iota3A_247, %eq3A_403 : vector<256x16xi32>
    %jit3A_405 = arith.constant 1073741824 : i32
    %broadcast_in_dim3A_406 = vector.broadcast %jit3A_405 : i32 to vector<256x16xi32>
    %select_n3A_407 = arith.select %eq3A_404, %broadcast_in_dim3A_406, %select_n3A_391 : vector<256x16xi1>, vector<256x16xi32>
    %reduce_min3A_408 = arith.constant dense<2147483647> : vector<256xi32>
    %reduce_min3A_409 = vector.multi_reduction <minsi>, %select_n3A_407, %reduce_min3A_408 [1] : vector<256x16xi32> to vector<256xi32>
    %broadcast_in_dim3A_410 = vector.shape_cast %reduce_min3A_409 : vector<256xi32> to vector<256x1xi32>
    %eq3A_411 = vector.broadcast %broadcast_in_dim3A_410 : vector<256x1xi32> to vector<256x16xi32>
    %eq3A_412 = arith.cmpi eq, %select_n3A_407, %eq3A_411 : vector<256x16xi32>
    %jit3A_413 = arith.constant 1073741824 : i32
    %broadcast_in_dim3A_414 = vector.broadcast %jit3A_413 : i32 to vector<256x16xi32>
    %select_n3A_415 = arith.select %eq3A_412, %iota3A_247, %broadcast_in_dim3A_414 : vector<256x16xi1>, vector<256x16xi32>
    %reduce_min3A_416 = arith.constant dense<2147483647> : vector<256xi32>
    %reduce_min3A_417 = vector.multi_reduction <minsi>, %select_n3A_415, %reduce_min3A_416 [1] : vector<256x16xi32> to vector<256xi32>
    %broadcast_in_dim3A_418 = vector.shape_cast %reduce_min3A_417 : vector<256xi32> to vector<256x1xi32>
    %eq3A_419 = vector.broadcast %broadcast_in_dim3A_418 : vector<256x1xi32> to vector<256x16xi32>
    %eq3A_420 = arith.cmpi eq, %iota3A_247, %eq3A_419 : vector<256x16xi32>
    %jit3A_421 = arith.constant 1073741824 : i32
    %broadcast_in_dim3A_422 = vector.broadcast %jit3A_421 : i32 to vector<256x16xi32>
    %select_n3A_423 = arith.select %eq3A_420, %broadcast_in_dim3A_422, %select_n3A_407 : vector<256x16xi1>, vector<256x16xi32>
    %reduce_min3A_424 = arith.constant dense<2147483647> : vector<256xi32>
    %reduce_min3A_425 = vector.multi_reduction <minsi>, %select_n3A_423, %reduce_min3A_424 [1] : vector<256x16xi32> to vector<256xi32>
    %broadcast_in_dim3A_426 = vector.shape_cast %reduce_min3A_425 : vector<256xi32> to vector<256x1xi32>
    %eq3A_427 = vector.broadcast %broadcast_in_dim3A_426 : vector<256x1xi32> to vector<256x16xi32>
    %eq3A_428 = arith.cmpi eq, %select_n3A_423, %eq3A_427 : vector<256x16xi32>
    %jit3A_429 = arith.constant 1073741824 : i32
    %broadcast_in_dim3A_430 = vector.broadcast %jit3A_429 : i32 to vector<256x16xi32>
    %select_n3A_431 = arith.select %eq3A_428, %iota3A_247, %broadcast_in_dim3A_430 : vector<256x16xi1>, vector<256x16xi32>
    %reduce_min3A_432 = arith.constant dense<2147483647> : vector<256xi32>
    %reduce_min3A_433 = vector.multi_reduction <minsi>, %select_n3A_431, %reduce_min3A_432 [1] : vector<256x16xi32> to vector<256xi32>
    %broadcast_in_dim3A_434 = vector.shape_cast %reduce_min3A_433 : vector<256xi32> to vector<256x1xi32>
    %eq3A_435 = vector.broadcast %broadcast_in_dim3A_434 : vector<256x1xi32> to vector<256x16xi32>
    %eq3A_436 = arith.cmpi eq, %iota3A_247, %eq3A_435 : vector<256x16xi32>
    %jit3A_437 = arith.constant 1073741824 : i32
    %broadcast_in_dim3A_438 = vector.broadcast %jit3A_437 : i32 to vector<256x16xi32>
    %select_n3A_439 = arith.select %eq3A_436, %broadcast_in_dim3A_438, %select_n3A_423 : vector<256x16xi1>, vector<256x16xi32>
    %reduce_min3A_440 = arith.constant dense<2147483647> : vector<256xi32>
    %reduce_min3A_441 = vector.multi_reduction <minsi>, %select_n3A_439, %reduce_min3A_440 [1] : vector<256x16xi32> to vector<256xi32>
    %broadcast_in_dim3A_442 = vector.shape_cast %reduce_min3A_441 : vector<256xi32> to vector<256x1xi32>
    %eq3A_443 = vector.broadcast %broadcast_in_dim3A_442 : vector<256x1xi32> to vector<256x16xi32>
    %eq3A_444 = arith.cmpi eq, %select_n3A_439, %eq3A_443 : vector<256x16xi32>
    %jit3A_445 = arith.constant 1073741824 : i32
    %broadcast_in_dim3A_446 = vector.broadcast %jit3A_445 : i32 to vector<256x16xi32>
    %select_n3A_447 = arith.select %eq3A_444, %iota3A_247, %broadcast_in_dim3A_446 : vector<256x16xi1>, vector<256x16xi32>
    %reduce_min3A_448 = arith.constant dense<2147483647> : vector<256xi32>
    %reduce_min3A_449 = vector.multi_reduction <minsi>, %select_n3A_447, %reduce_min3A_448 [1] : vector<256x16xi32> to vector<256xi32>
    %broadcast_in_dim3A_450 = vector.shape_cast %reduce_min3A_449 : vector<256xi32> to vector<256x1xi32>
    %eq3A_451 = vector.broadcast %broadcast_in_dim3A_450 : vector<256x1xi32> to vector<256x16xi32>
    %eq3A_452 = arith.cmpi eq, %iota3A_247, %eq3A_451 : vector<256x16xi32>
    %jit3A_453 = arith.constant 1073741824 : i32
    %broadcast_in_dim3A_454 = vector.broadcast %jit3A_453 : i32 to vector<256x16xi32>
    %select_n3A_455 = arith.select %eq3A_452, %broadcast_in_dim3A_454, %select_n3A_439 : vector<256x16xi1>, vector<256x16xi32>
    %reduce_min3A_456 = arith.constant dense<2147483647> : vector<256xi32>
    %reduce_min3A_457 = vector.multi_reduction <minsi>, %select_n3A_455, %reduce_min3A_456 [1] : vector<256x16xi32> to vector<256xi32>
    %broadcast_in_dim3A_458 = vector.shape_cast %reduce_min3A_457 : vector<256xi32> to vector<256x1xi32>
    %eq3A_459 = vector.broadcast %broadcast_in_dim3A_458 : vector<256x1xi32> to vector<256x16xi32>
    %eq3A_460 = arith.cmpi eq, %select_n3A_455, %eq3A_459 : vector<256x16xi32>
    %jit3A_461 = arith.constant 1073741824 : i32
    %broadcast_in_dim3A_462 = vector.broadcast %jit3A_461 : i32 to vector<256x16xi32>
    %select_n3A_463 = arith.select %eq3A_460, %iota3A_247, %broadcast_in_dim3A_462 : vector<256x16xi1>, vector<256x16xi32>
    %reduce_min3A_464 = arith.constant dense<2147483647> : vector<256xi32>
    %reduce_min3A_465 = vector.multi_reduction <minsi>, %select_n3A_463, %reduce_min3A_464 [1] : vector<256x16xi32> to vector<256xi32>
    %broadcast_in_dim3A_466 = vector.shape_cast %reduce_min3A_465 : vector<256xi32> to vector<256x1xi32>
    %eq3A_467 = vector.broadcast %broadcast_in_dim3A_466 : vector<256x1xi32> to vector<256x16xi32>
    %eq3A_468 = arith.cmpi eq, %iota3A_247, %eq3A_467 : vector<256x16xi32>
    %jit3A_469 = arith.constant 1073741824 : i32
    %broadcast_in_dim3A_470 = vector.broadcast %jit3A_469 : i32 to vector<256x16xi32>
    %select_n3A_471 = arith.select %eq3A_468, %broadcast_in_dim3A_470, %select_n3A_455 : vector<256x16xi1>, vector<256x16xi32>
    %reduce_min3A_472 = arith.constant dense<2147483647> : vector<256xi32>
    %reduce_min3A_473 = vector.multi_reduction <minsi>, %select_n3A_471, %reduce_min3A_472 [1] : vector<256x16xi32> to vector<256xi32>
    %broadcast_in_dim3A_474 = vector.shape_cast %reduce_min3A_473 : vector<256xi32> to vector<256x1xi32>
    %eq3A_475 = vector.broadcast %broadcast_in_dim3A_474 : vector<256x1xi32> to vector<256x16xi32>
    %eq3A_476 = arith.cmpi eq, %select_n3A_471, %eq3A_475 : vector<256x16xi32>
    %jit3A_477 = arith.constant 1073741824 : i32
    %broadcast_in_dim3A_478 = vector.broadcast %jit3A_477 : i32 to vector<256x16xi32>
    %select_n3A_479 = arith.select %eq3A_476, %iota3A_247, %broadcast_in_dim3A_478 : vector<256x16xi1>, vector<256x16xi32>
    %reduce_min3A_480 = arith.constant dense<2147483647> : vector<256xi32>
    %reduce_min3A_481 = vector.multi_reduction <minsi>, %select_n3A_479, %reduce_min3A_480 [1] : vector<256x16xi32> to vector<256xi32>
    %broadcast_in_dim3A_482 = vector.shape_cast %reduce_min3A_481 : vector<256xi32> to vector<256x1xi32>
    %eq3A_483 = vector.broadcast %broadcast_in_dim3A_482 : vector<256x1xi32> to vector<256x16xi32>
    %eq3A_484 = arith.cmpi eq, %iota3A_247, %eq3A_483 : vector<256x16xi32>
    %jit3A_485 = arith.constant 1073741824 : i32
    %broadcast_in_dim3A_486 = vector.broadcast %jit3A_485 : i32 to vector<256x16xi32>
    %select_n3A_487 = arith.select %eq3A_484, %broadcast_in_dim3A_486, %select_n3A_471 : vector<256x16xi1>, vector<256x16xi32>
    %reduce_min3A_488 = arith.constant dense<2147483647> : vector<256xi32>
    %reduce_min3A_489 = vector.multi_reduction <minsi>, %select_n3A_487, %reduce_min3A_488 [1] : vector<256x16xi32> to vector<256xi32>
    %broadcast_in_dim3A_490 = vector.shape_cast %reduce_min3A_489 : vector<256xi32> to vector<256x1xi32>
    %concatenate3A_491 = tpu.concatenate %broadcast_in_dim3A_250, %broadcast_in_dim3A_266, %broadcast_in_dim3A_282, %broadcast_in_dim3A_298, %broadcast_in_dim3A_314, %broadcast_in_dim3A_330, %broadcast_in_dim3A_346, %broadcast_in_dim3A_362, %broadcast_in_dim3A_378, %broadcast_in_dim3A_394, %broadcast_in_dim3A_410, %broadcast_in_dim3A_426, %broadcast_in_dim3A_442, %broadcast_in_dim3A_458, %broadcast_in_dim3A_474, %broadcast_in_dim3A_490 in 1 : vector<256x1xi32>, vector<256x1xi32>, vector<256x1xi32>, vector<256x1xi32>, vector<256x1xi32>, vector<256x1xi32>, vector<256x1xi32>, vector<256x1xi32>, vector<256x1xi32>, vector<256x1xi32>, vector<256x1xi32>, vector<256x1xi32>, vector<256x1xi32>, vector<256x1xi32>, vector<256x1xi32>, vector<256x1xi32> -> vector<256x16xi32>
    %swap3A = arith.constant 0 : index
    %swap3A_492 = arith.constant 0 : index
    %swap3A_493 = vector.load %arg3[%swap3A, %swap3A_492] : memref<256x16xi32, #tpu.memory_space<vmem>>, vector<256x16xi32>
    tpu.vector_store %arg3[%swap3A, %swap3A_492], %concatenate3A_491 {strides = array<i32>} : memref<256x16xi32, #tpu.memory_space<vmem>>, vector<256x16xi32>,
    %mul3A = arith.constant 256 : i32
    %mul3A_494 = arith.muli %arg0, %mul3A : i32
    %iota3A_495 = tpu.iota {dimensions = array<i32: 0>} : vector<256x16xi32>
    %add3A = vector.broadcast %mul3A_494 : i32 to vector<256x16xi32>
    %add3A_496 = arith.addi %add3A, %iota3A_495 : vector<256x16xi32>
    %mul3A_497 = arith.constant 784 : i32
    %mul3A_498 = vector.broadcast %mul3A_497 : i32 to vector<256x16xi32>
    %mul3A_499 = arith.muli %add3A_496, %mul3A_498 : vector<256x16xi32>
    %add3A_500 = arith.addi %mul3A_499, %concatenate3A_491 : vector<256x16xi32>
    %swap3A_501 = arith.constant 0 : index
    %swap3A_502 = arith.constant 0 : index
    %swap3A_503 = vector.load %arg2[%swap3A_501, %swap3A_502] : memref<256x16xi32, #tpu.memory_space<vmem>>, vector<256x16xi32>
    tpu.vector_store %arg2[%swap3A_501, %swap3A_502], %add3A_500 {strides = array<i32>} : memref<256x16xi32, #tpu.memory_space<vmem>>, vector<256x16xi32>,
    return
  }
  func.func @transform_0(%arg0: i32) -> (i32, i32) {
    %c0_i32 = arith.constant 0 : i32
    %c0_i32_0 = arith.constant 0 : i32
    return %arg0, %c0_i32 : i32, i32
  }
  func.func @transform_1(%arg0: i32) -> (i32, i32) {
    %c0_i32 = arith.constant 0 : i32
    %c0_i32_0 = arith.constant 0 : i32
    return %arg0, %c0_i32 : i32, i32
  }
  func.func @transform_2(%arg0: i32) -> (i32, i32) {
    %c0_i32 = arith.constant 0 : i32
    %c0_i32_0 = arith.constant 0 : i32
    return %arg0, %c0_i32 : i32, i32
  }
}

module attributes {stable_mosaic.version = 14 : i64} {
  func.func @_topk_body(%arg0: i32, %arg1: memref<128x2048xf32, #tpu.memory_space<vmem>>, %arg2: memref<128x16xi32, #tpu.memory_space<vmem>>, %arg3: memref<128x16xf32, #tpu.memory_space<vmem>>, %arg4: memref<128x16xi32, #tpu.memory_space<vmem>>) attributes {dimension_semantics = [#tpu.dimension_semantics<arbitrary>], iteration_bounds = array<i64: 8>, scalar_prefetch = 0 : i64, scratch_operands = 0 : i64, tpu.core_type = #tpu.core_type<tc>, window_params = [{transform_indices = @transform_0, window_bounds = array<i64: 128, 2048>}, {transform_indices = @transform_1, window_bounds = array<i64: 128, 16>}, {transform_indices = @transform_2, window_bounds = array<i64: 128, 16>}, {transform_indices = @transform_3, window_bounds = array<i64: 128, 16>}]} {
    %get3A = arith.constant 0 : index
    %get3A_0 = arith.constant 0 : index
    %get3A_1 = vector.load %arg1[%get3A, %get3A_0] : memref<128x2048xf32, #tpu.memory_space<vmem>>, vector<128x2048xf32>
    %get3A_2 = arith.constant 0 : index
    %get3A_3 = arith.constant 0 : index
    %get3A_4 = vector.load %arg2[%get3A_2, %get3A_3] : memref<128x16xi32, #tpu.memory_space<vmem>>, vector<128x16xi32>
    %iota3A = tpu.iota {dimensions = array<i32: 1>} : vector<128x2048xi32>
    %iota3A_5 = tpu.iota {dimensions = array<i32: 1>} : vector<128x16xi32>
    %reduce_max3A = arith.constant dense<0xFF800000> : vector<128xf32>
    %reduce_max3A_6 = vector.multi_reduction <maximumf>, %get3A_1, %reduce_max3A [1] : vector<128x2048xf32> to vector<128xf32>
    %broadcast_in_dim3A = vector.shape_cast %reduce_max3A_6 : vector<128xf32> to vector<128x1xf32>
    %eq3A = vector.broadcast %broadcast_in_dim3A : vector<128x1xf32> to vector<128x2048xf32>
    %eq3A_7 = arith.cmpf oeq, %get3A_1, %eq3A : vector<128x2048xf32>
    %jit3A = arith.constant 1073741824 : i32
    %broadcast_in_dim3A_8 = vector.broadcast %jit3A : i32 to vector<128x2048xi32>
    %select_n3A = arith.select %eq3A_7, %iota3A, %broadcast_in_dim3A_8 : vector<128x2048xi1>, vector<128x2048xi32>
    %reduce_min3A = arith.constant dense<2147483647> : vector<128xi32>
    %reduce_min3A_9 = vector.multi_reduction <minsi>, %select_n3A, %reduce_min3A [1] : vector<128x2048xi32> to vector<128xi32>
    %broadcast_in_dim3A_10 = vector.shape_cast %reduce_min3A_9 : vector<128xi32> to vector<128x1xi32>
    %jit3A_11 = arith.constant 128 : i32
    %div3A = vector.broadcast %jit3A_11 : i32 to vector<128x1xi32>
    %div3A_12 = arith.divsi %broadcast_in_dim3A_10, %div3A : vector<128x1xi32>
    %sign3A = arith.constant 0 : i32
    %sign3A_13 = vector.broadcast %sign3A : i32 to vector<128x1xi32>
    %sign3A_14 = arith.cmpi sgt, %broadcast_in_dim3A_10, %sign3A_13 : vector<128x1xi32>
    %sign3A_15 = arith.extui %sign3A_14 : vector<128x1xi1> to vector<128x1xi32>
    %sign3A_16 = arith.constant 0 : i32
    %sign3A_17 = vector.broadcast %sign3A_16 : i32 to vector<128x1xi32>
    %sign3A_18 = arith.cmpi slt, %broadcast_in_dim3A_10, %sign3A_17 : vector<128x1xi32>
    %sign3A_19 = arith.extui %sign3A_18 : vector<128x1xi1> to vector<128x1xi32>
    %sign3A_20 = arith.subi %sign3A_15, %sign3A_19 : vector<128x1xi32>
    %sign3A_21 = arith.constant 0 : i32
    %sign3A_22 = arith.cmpi sgt, %jit3A_11, %sign3A_21 : i32
    %sign3A_23 = arith.extui %sign3A_22 : i1 to i32
    %sign3A_24 = arith.constant 0 : i32
    %sign3A_25 = arith.cmpi slt, %jit3A_11, %sign3A_24 : i32
    %sign3A_26 = arith.extui %sign3A_25 : i1 to i32
    %sign3A_27 = arith.subi %sign3A_23, %sign3A_26 : i32
    %ne3A = vector.broadcast %sign3A_27 : i32 to vector<128x1xi32>
    %ne3A_28 = arith.cmpi ne, %sign3A_20, %ne3A : vector<128x1xi32>
    %rem3A = vector.broadcast %jit3A_11 : i32 to vector<128x1xi32>
    %rem3A_29 = arith.remsi %broadcast_in_dim3A_10, %rem3A : vector<128x1xi32>
    %ne3A_30 = arith.constant 0 : i32
    %ne3A_31 = vector.broadcast %ne3A_30 : i32 to vector<128x1xi32>
    %ne3A_32 = arith.cmpi ne, %rem3A_29, %ne3A_31 : vector<128x1xi32>
    %and3A = arith.andi %ne3A_28, %ne3A_32 : vector<128x1xi1>
    %sub3A = arith.constant 1 : i32
    %sub3A_33 = vector.broadcast %sub3A : i32 to vector<128x1xi32>
    %sub3A_34 = arith.subi %div3A_12, %sub3A_33 : vector<128x1xi32>
    %select_n3A_35 = arith.select %and3A, %sub3A_34, %div3A_12 : vector<128x1xi1>, vector<128x1xi32>
    %eq3A_36 = vector.broadcast %select_n3A_35 : vector<128x1xi32> to vector<128x16xi32>
    %eq3A_37 = arith.cmpi eq, %iota3A_5, %eq3A_36 : vector<128x16xi32>
    %jit3A_38 = arith.constant 0 : i32
    %broadcast_in_dim3A_39 = vector.broadcast %jit3A_38 : i32 to vector<128x16xi32>
    %select_n3A_40 = arith.select %eq3A_37, %get3A_4, %broadcast_in_dim3A_39 : vector<128x16xi1>, vector<128x16xi32>
    %reduce_sum3A = arith.constant dense<0> : vector<128xi32>
    %reduce_sum3A_41 = vector.multi_reduction <add>, %select_n3A_40, %reduce_sum3A [1] : vector<128x16xi32> to vector<128xi32>
    %broadcast_in_dim3A_42 = vector.shape_cast %reduce_sum3A_41 : vector<128xi32> to vector<128x1xi32>
    %mul3A = arith.constant 128 : i32
    %mul3A_43 = vector.broadcast %mul3A : i32 to vector<128x1xi32>
    %mul3A_44 = arith.muli %broadcast_in_dim3A_42, %mul3A_43 : vector<128x1xi32>
    %mul3A_45 = arith.constant 128 : i32
    %mul3A_46 = vector.broadcast %mul3A_45 : i32 to vector<128x1xi32>
    %mul3A_47 = arith.muli %select_n3A_35, %mul3A_46 : vector<128x1xi32>
    %sub3A_48 = arith.subi %broadcast_in_dim3A_10, %mul3A_47 : vector<128x1xi32>
    %add3A = arith.addi %mul3A_44, %sub3A_48 : vector<128x1xi32>
    %eq3A_49 = vector.broadcast %broadcast_in_dim3A_10 : vector<128x1xi32> to vector<128x2048xi32>
    %eq3A_50 = arith.cmpi eq, %iota3A, %eq3A_49 : vector<128x2048xi32>
    %jit3A_51 = arith.constant -3.000000e+38 : f32
    %broadcast_in_dim3A_52 = vector.broadcast %jit3A_51 : f32 to vector<128x2048xf32>
    %select_n3A_53 = arith.select %eq3A_50, %broadcast_in_dim3A_52, %get3A_1 : vector<128x2048xi1>, vector<128x2048xf32>
    %reduce_max3A_54 = arith.constant dense<0xFF800000> : vector<128xf32>
    %reduce_max3A_55 = vector.multi_reduction <maximumf>, %select_n3A_53, %reduce_max3A_54 [1] : vector<128x2048xf32> to vector<128xf32>
    %broadcast_in_dim3A_56 = vector.shape_cast %reduce_max3A_55 : vector<128xf32> to vector<128x1xf32>
    %eq3A_57 = vector.broadcast %broadcast_in_dim3A_56 : vector<128x1xf32> to vector<128x2048xf32>
    %eq3A_58 = arith.cmpf oeq, %select_n3A_53, %eq3A_57 : vector<128x2048xf32>
    %jit3A_59 = arith.constant 1073741824 : i32
    %broadcast_in_dim3A_60 = vector.broadcast %jit3A_59 : i32 to vector<128x2048xi32>
    %select_n3A_61 = arith.select %eq3A_58, %iota3A, %broadcast_in_dim3A_60 : vector<128x2048xi1>, vector<128x2048xi32>
    %reduce_min3A_62 = arith.constant dense<2147483647> : vector<128xi32>
    %reduce_min3A_63 = vector.multi_reduction <minsi>, %select_n3A_61, %reduce_min3A_62 [1] : vector<128x2048xi32> to vector<128xi32>
    %broadcast_in_dim3A_64 = vector.shape_cast %reduce_min3A_63 : vector<128xi32> to vector<128x1xi32>
    %jit3A_65 = arith.constant 128 : i32
    %div3A_66 = vector.broadcast %jit3A_65 : i32 to vector<128x1xi32>
    %div3A_67 = arith.divsi %broadcast_in_dim3A_64, %div3A_66 : vector<128x1xi32>
    %sign3A_68 = arith.constant 0 : i32
    %sign3A_69 = vector.broadcast %sign3A_68 : i32 to vector<128x1xi32>
    %sign3A_70 = arith.cmpi sgt, %broadcast_in_dim3A_64, %sign3A_69 : vector<128x1xi32>
    %sign3A_71 = arith.extui %sign3A_70 : vector<128x1xi1> to vector<128x1xi32>
    %sign3A_72 = arith.constant 0 : i32
    %sign3A_73 = vector.broadcast %sign3A_72 : i32 to vector<128x1xi32>
    %sign3A_74 = arith.cmpi slt, %broadcast_in_dim3A_64, %sign3A_73 : vector<128x1xi32>
    %sign3A_75 = arith.extui %sign3A_74 : vector<128x1xi1> to vector<128x1xi32>
    %sign3A_76 = arith.subi %sign3A_71, %sign3A_75 : vector<128x1xi32>
    %sign3A_77 = arith.constant 0 : i32
    %sign3A_78 = arith.cmpi sgt, %jit3A_65, %sign3A_77 : i32
    %sign3A_79 = arith.extui %sign3A_78 : i1 to i32
    %sign3A_80 = arith.constant 0 : i32
    %sign3A_81 = arith.cmpi slt, %jit3A_65, %sign3A_80 : i32
    %sign3A_82 = arith.extui %sign3A_81 : i1 to i32
    %sign3A_83 = arith.subi %sign3A_79, %sign3A_82 : i32
    %ne3A_84 = vector.broadcast %sign3A_83 : i32 to vector<128x1xi32>
    %ne3A_85 = arith.cmpi ne, %sign3A_76, %ne3A_84 : vector<128x1xi32>
    %rem3A_86 = vector.broadcast %jit3A_65 : i32 to vector<128x1xi32>
    %rem3A_87 = arith.remsi %broadcast_in_dim3A_64, %rem3A_86 : vector<128x1xi32>
    %ne3A_88 = arith.constant 0 : i32
    %ne3A_89 = vector.broadcast %ne3A_88 : i32 to vector<128x1xi32>
    %ne3A_90 = arith.cmpi ne, %rem3A_87, %ne3A_89 : vector<128x1xi32>
    %and3A_91 = arith.andi %ne3A_85, %ne3A_90 : vector<128x1xi1>
    %sub3A_92 = arith.constant 1 : i32
    %sub3A_93 = vector.broadcast %sub3A_92 : i32 to vector<128x1xi32>
    %sub3A_94 = arith.subi %div3A_67, %sub3A_93 : vector<128x1xi32>
    %select_n3A_95 = arith.select %and3A_91, %sub3A_94, %div3A_67 : vector<128x1xi1>, vector<128x1xi32>
    %eq3A_96 = vector.broadcast %select_n3A_95 : vector<128x1xi32> to vector<128x16xi32>
    %eq3A_97 = arith.cmpi eq, %iota3A_5, %eq3A_96 : vector<128x16xi32>
    %jit3A_98 = arith.constant 0 : i32
    %broadcast_in_dim3A_99 = vector.broadcast %jit3A_98 : i32 to vector<128x16xi32>
    %select_n3A_100 = arith.select %eq3A_97, %get3A_4, %broadcast_in_dim3A_99 : vector<128x16xi1>, vector<128x16xi32>
    %reduce_sum3A_101 = arith.constant dense<0> : vector<128xi32>
    %reduce_sum3A_102 = vector.multi_reduction <add>, %select_n3A_100, %reduce_sum3A_101 [1] : vector<128x16xi32> to vector<128xi32>
    %broadcast_in_dim3A_103 = vector.shape_cast %reduce_sum3A_102 : vector<128xi32> to vector<128x1xi32>
    %mul3A_104 = arith.constant 128 : i32
    %mul3A_105 = vector.broadcast %mul3A_104 : i32 to vector<128x1xi32>
    %mul3A_106 = arith.muli %broadcast_in_dim3A_103, %mul3A_105 : vector<128x1xi32>
    %mul3A_107 = arith.constant 128 : i32
    %mul3A_108 = vector.broadcast %mul3A_107 : i32 to vector<128x1xi32>
    %mul3A_109 = arith.muli %select_n3A_95, %mul3A_108 : vector<128x1xi32>
    %sub3A_110 = arith.subi %broadcast_in_dim3A_64, %mul3A_109 : vector<128x1xi32>
    %add3A_111 = arith.addi %mul3A_106, %sub3A_110 : vector<128x1xi32>
    %eq3A_112 = vector.broadcast %broadcast_in_dim3A_64 : vector<128x1xi32> to vector<128x2048xi32>
    %eq3A_113 = arith.cmpi eq, %iota3A, %eq3A_112 : vector<128x2048xi32>
    %jit3A_114 = arith.constant -3.000000e+38 : f32
    %broadcast_in_dim3A_115 = vector.broadcast %jit3A_114 : f32 to vector<128x2048xf32>
    %select_n3A_116 = arith.select %eq3A_113, %broadcast_in_dim3A_115, %select_n3A_53 : vector<128x2048xi1>, vector<128x2048xf32>
    %reduce_max3A_117 = arith.constant dense<0xFF800000> : vector<128xf32>
    %reduce_max3A_118 = vector.multi_reduction <maximumf>, %select_n3A_116, %reduce_max3A_117 [1] : vector<128x2048xf32> to vector<128xf32>
    %broadcast_in_dim3A_119 = vector.shape_cast %reduce_max3A_118 : vector<128xf32> to vector<128x1xf32>
    %eq3A_120 = vector.broadcast %broadcast_in_dim3A_119 : vector<128x1xf32> to vector<128x2048xf32>
    %eq3A_121 = arith.cmpf oeq, %select_n3A_116, %eq3A_120 : vector<128x2048xf32>
    %jit3A_122 = arith.constant 1073741824 : i32
    %broadcast_in_dim3A_123 = vector.broadcast %jit3A_122 : i32 to vector<128x2048xi32>
    %select_n3A_124 = arith.select %eq3A_121, %iota3A, %broadcast_in_dim3A_123 : vector<128x2048xi1>, vector<128x2048xi32>
    %reduce_min3A_125 = arith.constant dense<2147483647> : vector<128xi32>
    %reduce_min3A_126 = vector.multi_reduction <minsi>, %select_n3A_124, %reduce_min3A_125 [1] : vector<128x2048xi32> to vector<128xi32>
    %broadcast_in_dim3A_127 = vector.shape_cast %reduce_min3A_126 : vector<128xi32> to vector<128x1xi32>
    %jit3A_128 = arith.constant 128 : i32
    %div3A_129 = vector.broadcast %jit3A_128 : i32 to vector<128x1xi32>
    %div3A_130 = arith.divsi %broadcast_in_dim3A_127, %div3A_129 : vector<128x1xi32>
    %sign3A_131 = arith.constant 0 : i32
    %sign3A_132 = vector.broadcast %sign3A_131 : i32 to vector<128x1xi32>
    %sign3A_133 = arith.cmpi sgt, %broadcast_in_dim3A_127, %sign3A_132 : vector<128x1xi32>
    %sign3A_134 = arith.extui %sign3A_133 : vector<128x1xi1> to vector<128x1xi32>
    %sign3A_135 = arith.constant 0 : i32
    %sign3A_136 = vector.broadcast %sign3A_135 : i32 to vector<128x1xi32>
    %sign3A_137 = arith.cmpi slt, %broadcast_in_dim3A_127, %sign3A_136 : vector<128x1xi32>
    %sign3A_138 = arith.extui %sign3A_137 : vector<128x1xi1> to vector<128x1xi32>
    %sign3A_139 = arith.subi %sign3A_134, %sign3A_138 : vector<128x1xi32>
    %sign3A_140 = arith.constant 0 : i32
    %sign3A_141 = arith.cmpi sgt, %jit3A_128, %sign3A_140 : i32
    %sign3A_142 = arith.extui %sign3A_141 : i1 to i32
    %sign3A_143 = arith.constant 0 : i32
    %sign3A_144 = arith.cmpi slt, %jit3A_128, %sign3A_143 : i32
    %sign3A_145 = arith.extui %sign3A_144 : i1 to i32
    %sign3A_146 = arith.subi %sign3A_142, %sign3A_145 : i32
    %ne3A_147 = vector.broadcast %sign3A_146 : i32 to vector<128x1xi32>
    %ne3A_148 = arith.cmpi ne, %sign3A_139, %ne3A_147 : vector<128x1xi32>
    %rem3A_149 = vector.broadcast %jit3A_128 : i32 to vector<128x1xi32>
    %rem3A_150 = arith.remsi %broadcast_in_dim3A_127, %rem3A_149 : vector<128x1xi32>
    %ne3A_151 = arith.constant 0 : i32
    %ne3A_152 = vector.broadcast %ne3A_151 : i32 to vector<128x1xi32>
    %ne3A_153 = arith.cmpi ne, %rem3A_150, %ne3A_152 : vector<128x1xi32>
    %and3A_154 = arith.andi %ne3A_148, %ne3A_153 : vector<128x1xi1>
    %sub3A_155 = arith.constant 1 : i32
    %sub3A_156 = vector.broadcast %sub3A_155 : i32 to vector<128x1xi32>
    %sub3A_157 = arith.subi %div3A_130, %sub3A_156 : vector<128x1xi32>
    %select_n3A_158 = arith.select %and3A_154, %sub3A_157, %div3A_130 : vector<128x1xi1>, vector<128x1xi32>
    %eq3A_159 = vector.broadcast %select_n3A_158 : vector<128x1xi32> to vector<128x16xi32>
    %eq3A_160 = arith.cmpi eq, %iota3A_5, %eq3A_159 : vector<128x16xi32>
    %jit3A_161 = arith.constant 0 : i32
    %broadcast_in_dim3A_162 = vector.broadcast %jit3A_161 : i32 to vector<128x16xi32>
    %select_n3A_163 = arith.select %eq3A_160, %get3A_4, %broadcast_in_dim3A_162 : vector<128x16xi1>, vector<128x16xi32>
    %reduce_sum3A_164 = arith.constant dense<0> : vector<128xi32>
    %reduce_sum3A_165 = vector.multi_reduction <add>, %select_n3A_163, %reduce_sum3A_164 [1] : vector<128x16xi32> to vector<128xi32>
    %broadcast_in_dim3A_166 = vector.shape_cast %reduce_sum3A_165 : vector<128xi32> to vector<128x1xi32>
    %mul3A_167 = arith.constant 128 : i32
    %mul3A_168 = vector.broadcast %mul3A_167 : i32 to vector<128x1xi32>
    %mul3A_169 = arith.muli %broadcast_in_dim3A_166, %mul3A_168 : vector<128x1xi32>
    %mul3A_170 = arith.constant 128 : i32
    %mul3A_171 = vector.broadcast %mul3A_170 : i32 to vector<128x1xi32>
    %mul3A_172 = arith.muli %select_n3A_158, %mul3A_171 : vector<128x1xi32>
    %sub3A_173 = arith.subi %broadcast_in_dim3A_127, %mul3A_172 : vector<128x1xi32>
    %add3A_174 = arith.addi %mul3A_169, %sub3A_173 : vector<128x1xi32>
    %eq3A_175 = vector.broadcast %broadcast_in_dim3A_127 : vector<128x1xi32> to vector<128x2048xi32>
    %eq3A_176 = arith.cmpi eq, %iota3A, %eq3A_175 : vector<128x2048xi32>
    %jit3A_177 = arith.constant -3.000000e+38 : f32
    %broadcast_in_dim3A_178 = vector.broadcast %jit3A_177 : f32 to vector<128x2048xf32>
    %select_n3A_179 = arith.select %eq3A_176, %broadcast_in_dim3A_178, %select_n3A_116 : vector<128x2048xi1>, vector<128x2048xf32>
    %reduce_max3A_180 = arith.constant dense<0xFF800000> : vector<128xf32>
    %reduce_max3A_181 = vector.multi_reduction <maximumf>, %select_n3A_179, %reduce_max3A_180 [1] : vector<128x2048xf32> to vector<128xf32>
    %broadcast_in_dim3A_182 = vector.shape_cast %reduce_max3A_181 : vector<128xf32> to vector<128x1xf32>
    %eq3A_183 = vector.broadcast %broadcast_in_dim3A_182 : vector<128x1xf32> to vector<128x2048xf32>
    %eq3A_184 = arith.cmpf oeq, %select_n3A_179, %eq3A_183 : vector<128x2048xf32>
    %jit3A_185 = arith.constant 1073741824 : i32
    %broadcast_in_dim3A_186 = vector.broadcast %jit3A_185 : i32 to vector<128x2048xi32>
    %select_n3A_187 = arith.select %eq3A_184, %iota3A, %broadcast_in_dim3A_186 : vector<128x2048xi1>, vector<128x2048xi32>
    %reduce_min3A_188 = arith.constant dense<2147483647> : vector<128xi32>
    %reduce_min3A_189 = vector.multi_reduction <minsi>, %select_n3A_187, %reduce_min3A_188 [1] : vector<128x2048xi32> to vector<128xi32>
    %broadcast_in_dim3A_190 = vector.shape_cast %reduce_min3A_189 : vector<128xi32> to vector<128x1xi32>
    %jit3A_191 = arith.constant 128 : i32
    %div3A_192 = vector.broadcast %jit3A_191 : i32 to vector<128x1xi32>
    %div3A_193 = arith.divsi %broadcast_in_dim3A_190, %div3A_192 : vector<128x1xi32>
    %sign3A_194 = arith.constant 0 : i32
    %sign3A_195 = vector.broadcast %sign3A_194 : i32 to vector<128x1xi32>
    %sign3A_196 = arith.cmpi sgt, %broadcast_in_dim3A_190, %sign3A_195 : vector<128x1xi32>
    %sign3A_197 = arith.extui %sign3A_196 : vector<128x1xi1> to vector<128x1xi32>
    %sign3A_198 = arith.constant 0 : i32
    %sign3A_199 = vector.broadcast %sign3A_198 : i32 to vector<128x1xi32>
    %sign3A_200 = arith.cmpi slt, %broadcast_in_dim3A_190, %sign3A_199 : vector<128x1xi32>
    %sign3A_201 = arith.extui %sign3A_200 : vector<128x1xi1> to vector<128x1xi32>
    %sign3A_202 = arith.subi %sign3A_197, %sign3A_201 : vector<128x1xi32>
    %sign3A_203 = arith.constant 0 : i32
    %sign3A_204 = arith.cmpi sgt, %jit3A_191, %sign3A_203 : i32
    %sign3A_205 = arith.extui %sign3A_204 : i1 to i32
    %sign3A_206 = arith.constant 0 : i32
    %sign3A_207 = arith.cmpi slt, %jit3A_191, %sign3A_206 : i32
    %sign3A_208 = arith.extui %sign3A_207 : i1 to i32
    %sign3A_209 = arith.subi %sign3A_205, %sign3A_208 : i32
    %ne3A_210 = vector.broadcast %sign3A_209 : i32 to vector<128x1xi32>
    %ne3A_211 = arith.cmpi ne, %sign3A_202, %ne3A_210 : vector<128x1xi32>
    %rem3A_212 = vector.broadcast %jit3A_191 : i32 to vector<128x1xi32>
    %rem3A_213 = arith.remsi %broadcast_in_dim3A_190, %rem3A_212 : vector<128x1xi32>
    %ne3A_214 = arith.constant 0 : i32
    %ne3A_215 = vector.broadcast %ne3A_214 : i32 to vector<128x1xi32>
    %ne3A_216 = arith.cmpi ne, %rem3A_213, %ne3A_215 : vector<128x1xi32>
    %and3A_217 = arith.andi %ne3A_211, %ne3A_216 : vector<128x1xi1>
    %sub3A_218 = arith.constant 1 : i32
    %sub3A_219 = vector.broadcast %sub3A_218 : i32 to vector<128x1xi32>
    %sub3A_220 = arith.subi %div3A_193, %sub3A_219 : vector<128x1xi32>
    %select_n3A_221 = arith.select %and3A_217, %sub3A_220, %div3A_193 : vector<128x1xi1>, vector<128x1xi32>
    %eq3A_222 = vector.broadcast %select_n3A_221 : vector<128x1xi32> to vector<128x16xi32>
    %eq3A_223 = arith.cmpi eq, %iota3A_5, %eq3A_222 : vector<128x16xi32>
    %jit3A_224 = arith.constant 0 : i32
    %broadcast_in_dim3A_225 = vector.broadcast %jit3A_224 : i32 to vector<128x16xi32>
    %select_n3A_226 = arith.select %eq3A_223, %get3A_4, %broadcast_in_dim3A_225 : vector<128x16xi1>, vector<128x16xi32>
    %reduce_sum3A_227 = arith.constant dense<0> : vector<128xi32>
    %reduce_sum3A_228 = vector.multi_reduction <add>, %select_n3A_226, %reduce_sum3A_227 [1] : vector<128x16xi32> to vector<128xi32>
    %broadcast_in_dim3A_229 = vector.shape_cast %reduce_sum3A_228 : vector<128xi32> to vector<128x1xi32>
    %mul3A_230 = arith.constant 128 : i32
    %mul3A_231 = vector.broadcast %mul3A_230 : i32 to vector<128x1xi32>
    %mul3A_232 = arith.muli %broadcast_in_dim3A_229, %mul3A_231 : vector<128x1xi32>
    %mul3A_233 = arith.constant 128 : i32
    %mul3A_234 = vector.broadcast %mul3A_233 : i32 to vector<128x1xi32>
    %mul3A_235 = arith.muli %select_n3A_221, %mul3A_234 : vector<128x1xi32>
    %sub3A_236 = arith.subi %broadcast_in_dim3A_190, %mul3A_235 : vector<128x1xi32>
    %add3A_237 = arith.addi %mul3A_232, %sub3A_236 : vector<128x1xi32>
    %eq3A_238 = vector.broadcast %broadcast_in_dim3A_190 : vector<128x1xi32> to vector<128x2048xi32>
    %eq3A_239 = arith.cmpi eq, %iota3A, %eq3A_238 : vector<128x2048xi32>
    %jit3A_240 = arith.constant -3.000000e+38 : f32
    %broadcast_in_dim3A_241 = vector.broadcast %jit3A_240 : f32 to vector<128x2048xf32>
    %select_n3A_242 = arith.select %eq3A_239, %broadcast_in_dim3A_241, %select_n3A_179 : vector<128x2048xi1>, vector<128x2048xf32>
    %reduce_max3A_243 = arith.constant dense<0xFF800000> : vector<128xf32>
    %reduce_max3A_244 = vector.multi_reduction <maximumf>, %select_n3A_242, %reduce_max3A_243 [1] : vector<128x2048xf32> to vector<128xf32>
    %broadcast_in_dim3A_245 = vector.shape_cast %reduce_max3A_244 : vector<128xf32> to vector<128x1xf32>
    %eq3A_246 = vector.broadcast %broadcast_in_dim3A_245 : vector<128x1xf32> to vector<128x2048xf32>
    %eq3A_247 = arith.cmpf oeq, %select_n3A_242, %eq3A_246 : vector<128x2048xf32>
    %jit3A_248 = arith.constant 1073741824 : i32
    %broadcast_in_dim3A_249 = vector.broadcast %jit3A_248 : i32 to vector<128x2048xi32>
    %select_n3A_250 = arith.select %eq3A_247, %iota3A, %broadcast_in_dim3A_249 : vector<128x2048xi1>, vector<128x2048xi32>
    %reduce_min3A_251 = arith.constant dense<2147483647> : vector<128xi32>
    %reduce_min3A_252 = vector.multi_reduction <minsi>, %select_n3A_250, %reduce_min3A_251 [1] : vector<128x2048xi32> to vector<128xi32>
    %broadcast_in_dim3A_253 = vector.shape_cast %reduce_min3A_252 : vector<128xi32> to vector<128x1xi32>
    %jit3A_254 = arith.constant 128 : i32
    %div3A_255 = vector.broadcast %jit3A_254 : i32 to vector<128x1xi32>
    %div3A_256 = arith.divsi %broadcast_in_dim3A_253, %div3A_255 : vector<128x1xi32>
    %sign3A_257 = arith.constant 0 : i32
    %sign3A_258 = vector.broadcast %sign3A_257 : i32 to vector<128x1xi32>
    %sign3A_259 = arith.cmpi sgt, %broadcast_in_dim3A_253, %sign3A_258 : vector<128x1xi32>
    %sign3A_260 = arith.extui %sign3A_259 : vector<128x1xi1> to vector<128x1xi32>
    %sign3A_261 = arith.constant 0 : i32
    %sign3A_262 = vector.broadcast %sign3A_261 : i32 to vector<128x1xi32>
    %sign3A_263 = arith.cmpi slt, %broadcast_in_dim3A_253, %sign3A_262 : vector<128x1xi32>
    %sign3A_264 = arith.extui %sign3A_263 : vector<128x1xi1> to vector<128x1xi32>
    %sign3A_265 = arith.subi %sign3A_260, %sign3A_264 : vector<128x1xi32>
    %sign3A_266 = arith.constant 0 : i32
    %sign3A_267 = arith.cmpi sgt, %jit3A_254, %sign3A_266 : i32
    %sign3A_268 = arith.extui %sign3A_267 : i1 to i32
    %sign3A_269 = arith.constant 0 : i32
    %sign3A_270 = arith.cmpi slt, %jit3A_254, %sign3A_269 : i32
    %sign3A_271 = arith.extui %sign3A_270 : i1 to i32
    %sign3A_272 = arith.subi %sign3A_268, %sign3A_271 : i32
    %ne3A_273 = vector.broadcast %sign3A_272 : i32 to vector<128x1xi32>
    %ne3A_274 = arith.cmpi ne, %sign3A_265, %ne3A_273 : vector<128x1xi32>
    %rem3A_275 = vector.broadcast %jit3A_254 : i32 to vector<128x1xi32>
    %rem3A_276 = arith.remsi %broadcast_in_dim3A_253, %rem3A_275 : vector<128x1xi32>
    %ne3A_277 = arith.constant 0 : i32
    %ne3A_278 = vector.broadcast %ne3A_277 : i32 to vector<128x1xi32>
    %ne3A_279 = arith.cmpi ne, %rem3A_276, %ne3A_278 : vector<128x1xi32>
    %and3A_280 = arith.andi %ne3A_274, %ne3A_279 : vector<128x1xi1>
    %sub3A_281 = arith.constant 1 : i32
    %sub3A_282 = vector.broadcast %sub3A_281 : i32 to vector<128x1xi32>
    %sub3A_283 = arith.subi %div3A_256, %sub3A_282 : vector<128x1xi32>
    %select_n3A_284 = arith.select %and3A_280, %sub3A_283, %div3A_256 : vector<128x1xi1>, vector<128x1xi32>
    %eq3A_285 = vector.broadcast %select_n3A_284 : vector<128x1xi32> to vector<128x16xi32>
    %eq3A_286 = arith.cmpi eq, %iota3A_5, %eq3A_285 : vector<128x16xi32>
    %jit3A_287 = arith.constant 0 : i32
    %broadcast_in_dim3A_288 = vector.broadcast %jit3A_287 : i32 to vector<128x16xi32>
    %select_n3A_289 = arith.select %eq3A_286, %get3A_4, %broadcast_in_dim3A_288 : vector<128x16xi1>, vector<128x16xi32>
    %reduce_sum3A_290 = arith.constant dense<0> : vector<128xi32>
    %reduce_sum3A_291 = vector.multi_reduction <add>, %select_n3A_289, %reduce_sum3A_290 [1] : vector<128x16xi32> to vector<128xi32>
    %broadcast_in_dim3A_292 = vector.shape_cast %reduce_sum3A_291 : vector<128xi32> to vector<128x1xi32>
    %mul3A_293 = arith.constant 128 : i32
    %mul3A_294 = vector.broadcast %mul3A_293 : i32 to vector<128x1xi32>
    %mul3A_295 = arith.muli %broadcast_in_dim3A_292, %mul3A_294 : vector<128x1xi32>
    %mul3A_296 = arith.constant 128 : i32
    %mul3A_297 = vector.broadcast %mul3A_296 : i32 to vector<128x1xi32>
    %mul3A_298 = arith.muli %select_n3A_284, %mul3A_297 : vector<128x1xi32>
    %sub3A_299 = arith.subi %broadcast_in_dim3A_253, %mul3A_298 : vector<128x1xi32>
    %add3A_300 = arith.addi %mul3A_295, %sub3A_299 : vector<128x1xi32>
    %eq3A_301 = vector.broadcast %broadcast_in_dim3A_253 : vector<128x1xi32> to vector<128x2048xi32>
    %eq3A_302 = arith.cmpi eq, %iota3A, %eq3A_301 : vector<128x2048xi32>
    %jit3A_303 = arith.constant -3.000000e+38 : f32
    %broadcast_in_dim3A_304 = vector.broadcast %jit3A_303 : f32 to vector<128x2048xf32>
    %select_n3A_305 = arith.select %eq3A_302, %broadcast_in_dim3A_304, %select_n3A_242 : vector<128x2048xi1>, vector<128x2048xf32>
    %reduce_max3A_306 = arith.constant dense<0xFF800000> : vector<128xf32>
    %reduce_max3A_307 = vector.multi_reduction <maximumf>, %select_n3A_305, %reduce_max3A_306 [1] : vector<128x2048xf32> to vector<128xf32>
    %broadcast_in_dim3A_308 = vector.shape_cast %reduce_max3A_307 : vector<128xf32> to vector<128x1xf32>
    %eq3A_309 = vector.broadcast %broadcast_in_dim3A_308 : vector<128x1xf32> to vector<128x2048xf32>
    %eq3A_310 = arith.cmpf oeq, %select_n3A_305, %eq3A_309 : vector<128x2048xf32>
    %jit3A_311 = arith.constant 1073741824 : i32
    %broadcast_in_dim3A_312 = vector.broadcast %jit3A_311 : i32 to vector<128x2048xi32>
    %select_n3A_313 = arith.select %eq3A_310, %iota3A, %broadcast_in_dim3A_312 : vector<128x2048xi1>, vector<128x2048xi32>
    %reduce_min3A_314 = arith.constant dense<2147483647> : vector<128xi32>
    %reduce_min3A_315 = vector.multi_reduction <minsi>, %select_n3A_313, %reduce_min3A_314 [1] : vector<128x2048xi32> to vector<128xi32>
    %broadcast_in_dim3A_316 = vector.shape_cast %reduce_min3A_315 : vector<128xi32> to vector<128x1xi32>
    %jit3A_317 = arith.constant 128 : i32
    %div3A_318 = vector.broadcast %jit3A_317 : i32 to vector<128x1xi32>
    %div3A_319 = arith.divsi %broadcast_in_dim3A_316, %div3A_318 : vector<128x1xi32>
    %sign3A_320 = arith.constant 0 : i32
    %sign3A_321 = vector.broadcast %sign3A_320 : i32 to vector<128x1xi32>
    %sign3A_322 = arith.cmpi sgt, %broadcast_in_dim3A_316, %sign3A_321 : vector<128x1xi32>
    %sign3A_323 = arith.extui %sign3A_322 : vector<128x1xi1> to vector<128x1xi32>
    %sign3A_324 = arith.constant 0 : i32
    %sign3A_325 = vector.broadcast %sign3A_324 : i32 to vector<128x1xi32>
    %sign3A_326 = arith.cmpi slt, %broadcast_in_dim3A_316, %sign3A_325 : vector<128x1xi32>
    %sign3A_327 = arith.extui %sign3A_326 : vector<128x1xi1> to vector<128x1xi32>
    %sign3A_328 = arith.subi %sign3A_323, %sign3A_327 : vector<128x1xi32>
    %sign3A_329 = arith.constant 0 : i32
    %sign3A_330 = arith.cmpi sgt, %jit3A_317, %sign3A_329 : i32
    %sign3A_331 = arith.extui %sign3A_330 : i1 to i32
    %sign3A_332 = arith.constant 0 : i32
    %sign3A_333 = arith.cmpi slt, %jit3A_317, %sign3A_332 : i32
    %sign3A_334 = arith.extui %sign3A_333 : i1 to i32
    %sign3A_335 = arith.subi %sign3A_331, %sign3A_334 : i32
    %ne3A_336 = vector.broadcast %sign3A_335 : i32 to vector<128x1xi32>
    %ne3A_337 = arith.cmpi ne, %sign3A_328, %ne3A_336 : vector<128x1xi32>
    %rem3A_338 = vector.broadcast %jit3A_317 : i32 to vector<128x1xi32>
    %rem3A_339 = arith.remsi %broadcast_in_dim3A_316, %rem3A_338 : vector<128x1xi32>
    %ne3A_340 = arith.constant 0 : i32
    %ne3A_341 = vector.broadcast %ne3A_340 : i32 to vector<128x1xi32>
    %ne3A_342 = arith.cmpi ne, %rem3A_339, %ne3A_341 : vector<128x1xi32>
    %and3A_343 = arith.andi %ne3A_337, %ne3A_342 : vector<128x1xi1>
    %sub3A_344 = arith.constant 1 : i32
    %sub3A_345 = vector.broadcast %sub3A_344 : i32 to vector<128x1xi32>
    %sub3A_346 = arith.subi %div3A_319, %sub3A_345 : vector<128x1xi32>
    %select_n3A_347 = arith.select %and3A_343, %sub3A_346, %div3A_319 : vector<128x1xi1>, vector<128x1xi32>
    %eq3A_348 = vector.broadcast %select_n3A_347 : vector<128x1xi32> to vector<128x16xi32>
    %eq3A_349 = arith.cmpi eq, %iota3A_5, %eq3A_348 : vector<128x16xi32>
    %jit3A_350 = arith.constant 0 : i32
    %broadcast_in_dim3A_351 = vector.broadcast %jit3A_350 : i32 to vector<128x16xi32>
    %select_n3A_352 = arith.select %eq3A_349, %get3A_4, %broadcast_in_dim3A_351 : vector<128x16xi1>, vector<128x16xi32>
    %reduce_sum3A_353 = arith.constant dense<0> : vector<128xi32>
    %reduce_sum3A_354 = vector.multi_reduction <add>, %select_n3A_352, %reduce_sum3A_353 [1] : vector<128x16xi32> to vector<128xi32>
    %broadcast_in_dim3A_355 = vector.shape_cast %reduce_sum3A_354 : vector<128xi32> to vector<128x1xi32>
    %mul3A_356 = arith.constant 128 : i32
    %mul3A_357 = vector.broadcast %mul3A_356 : i32 to vector<128x1xi32>
    %mul3A_358 = arith.muli %broadcast_in_dim3A_355, %mul3A_357 : vector<128x1xi32>
    %mul3A_359 = arith.constant 128 : i32
    %mul3A_360 = vector.broadcast %mul3A_359 : i32 to vector<128x1xi32>
    %mul3A_361 = arith.muli %select_n3A_347, %mul3A_360 : vector<128x1xi32>
    %sub3A_362 = arith.subi %broadcast_in_dim3A_316, %mul3A_361 : vector<128x1xi32>
    %add3A_363 = arith.addi %mul3A_358, %sub3A_362 : vector<128x1xi32>
    %eq3A_364 = vector.broadcast %broadcast_in_dim3A_316 : vector<128x1xi32> to vector<128x2048xi32>
    %eq3A_365 = arith.cmpi eq, %iota3A, %eq3A_364 : vector<128x2048xi32>
    %jit3A_366 = arith.constant -3.000000e+38 : f32
    %broadcast_in_dim3A_367 = vector.broadcast %jit3A_366 : f32 to vector<128x2048xf32>
    %select_n3A_368 = arith.select %eq3A_365, %broadcast_in_dim3A_367, %select_n3A_305 : vector<128x2048xi1>, vector<128x2048xf32>
    %reduce_max3A_369 = arith.constant dense<0xFF800000> : vector<128xf32>
    %reduce_max3A_370 = vector.multi_reduction <maximumf>, %select_n3A_368, %reduce_max3A_369 [1] : vector<128x2048xf32> to vector<128xf32>
    %broadcast_in_dim3A_371 = vector.shape_cast %reduce_max3A_370 : vector<128xf32> to vector<128x1xf32>
    %eq3A_372 = vector.broadcast %broadcast_in_dim3A_371 : vector<128x1xf32> to vector<128x2048xf32>
    %eq3A_373 = arith.cmpf oeq, %select_n3A_368, %eq3A_372 : vector<128x2048xf32>
    %jit3A_374 = arith.constant 1073741824 : i32
    %broadcast_in_dim3A_375 = vector.broadcast %jit3A_374 : i32 to vector<128x2048xi32>
    %select_n3A_376 = arith.select %eq3A_373, %iota3A, %broadcast_in_dim3A_375 : vector<128x2048xi1>, vector<128x2048xi32>
    %reduce_min3A_377 = arith.constant dense<2147483647> : vector<128xi32>
    %reduce_min3A_378 = vector.multi_reduction <minsi>, %select_n3A_376, %reduce_min3A_377 [1] : vector<128x2048xi32> to vector<128xi32>
    %broadcast_in_dim3A_379 = vector.shape_cast %reduce_min3A_378 : vector<128xi32> to vector<128x1xi32>
    %jit3A_380 = arith.constant 128 : i32
    %div3A_381 = vector.broadcast %jit3A_380 : i32 to vector<128x1xi32>
    %div3A_382 = arith.divsi %broadcast_in_dim3A_379, %div3A_381 : vector<128x1xi32>
    %sign3A_383 = arith.constant 0 : i32
    %sign3A_384 = vector.broadcast %sign3A_383 : i32 to vector<128x1xi32>
    %sign3A_385 = arith.cmpi sgt, %broadcast_in_dim3A_379, %sign3A_384 : vector<128x1xi32>
    %sign3A_386 = arith.extui %sign3A_385 : vector<128x1xi1> to vector<128x1xi32>
    %sign3A_387 = arith.constant 0 : i32
    %sign3A_388 = vector.broadcast %sign3A_387 : i32 to vector<128x1xi32>
    %sign3A_389 = arith.cmpi slt, %broadcast_in_dim3A_379, %sign3A_388 : vector<128x1xi32>
    %sign3A_390 = arith.extui %sign3A_389 : vector<128x1xi1> to vector<128x1xi32>
    %sign3A_391 = arith.subi %sign3A_386, %sign3A_390 : vector<128x1xi32>
    %sign3A_392 = arith.constant 0 : i32
    %sign3A_393 = arith.cmpi sgt, %jit3A_380, %sign3A_392 : i32
    %sign3A_394 = arith.extui %sign3A_393 : i1 to i32
    %sign3A_395 = arith.constant 0 : i32
    %sign3A_396 = arith.cmpi slt, %jit3A_380, %sign3A_395 : i32
    %sign3A_397 = arith.extui %sign3A_396 : i1 to i32
    %sign3A_398 = arith.subi %sign3A_394, %sign3A_397 : i32
    %ne3A_399 = vector.broadcast %sign3A_398 : i32 to vector<128x1xi32>
    %ne3A_400 = arith.cmpi ne, %sign3A_391, %ne3A_399 : vector<128x1xi32>
    %rem3A_401 = vector.broadcast %jit3A_380 : i32 to vector<128x1xi32>
    %rem3A_402 = arith.remsi %broadcast_in_dim3A_379, %rem3A_401 : vector<128x1xi32>
    %ne3A_403 = arith.constant 0 : i32
    %ne3A_404 = vector.broadcast %ne3A_403 : i32 to vector<128x1xi32>
    %ne3A_405 = arith.cmpi ne, %rem3A_402, %ne3A_404 : vector<128x1xi32>
    %and3A_406 = arith.andi %ne3A_400, %ne3A_405 : vector<128x1xi1>
    %sub3A_407 = arith.constant 1 : i32
    %sub3A_408 = vector.broadcast %sub3A_407 : i32 to vector<128x1xi32>
    %sub3A_409 = arith.subi %div3A_382, %sub3A_408 : vector<128x1xi32>
    %select_n3A_410 = arith.select %and3A_406, %sub3A_409, %div3A_382 : vector<128x1xi1>, vector<128x1xi32>
    %eq3A_411 = vector.broadcast %select_n3A_410 : vector<128x1xi32> to vector<128x16xi32>
    %eq3A_412 = arith.cmpi eq, %iota3A_5, %eq3A_411 : vector<128x16xi32>
    %jit3A_413 = arith.constant 0 : i32
    %broadcast_in_dim3A_414 = vector.broadcast %jit3A_413 : i32 to vector<128x16xi32>
    %select_n3A_415 = arith.select %eq3A_412, %get3A_4, %broadcast_in_dim3A_414 : vector<128x16xi1>, vector<128x16xi32>
    %reduce_sum3A_416 = arith.constant dense<0> : vector<128xi32>
    %reduce_sum3A_417 = vector.multi_reduction <add>, %select_n3A_415, %reduce_sum3A_416 [1] : vector<128x16xi32> to vector<128xi32>
    %broadcast_in_dim3A_418 = vector.shape_cast %reduce_sum3A_417 : vector<128xi32> to vector<128x1xi32>
    %mul3A_419 = arith.constant 128 : i32
    %mul3A_420 = vector.broadcast %mul3A_419 : i32 to vector<128x1xi32>
    %mul3A_421 = arith.muli %broadcast_in_dim3A_418, %mul3A_420 : vector<128x1xi32>
    %mul3A_422 = arith.constant 128 : i32
    %mul3A_423 = vector.broadcast %mul3A_422 : i32 to vector<128x1xi32>
    %mul3A_424 = arith.muli %select_n3A_410, %mul3A_423 : vector<128x1xi32>
    %sub3A_425 = arith.subi %broadcast_in_dim3A_379, %mul3A_424 : vector<128x1xi32>
    %add3A_426 = arith.addi %mul3A_421, %sub3A_425 : vector<128x1xi32>
    %eq3A_427 = vector.broadcast %broadcast_in_dim3A_379 : vector<128x1xi32> to vector<128x2048xi32>
    %eq3A_428 = arith.cmpi eq, %iota3A, %eq3A_427 : vector<128x2048xi32>
    %jit3A_429 = arith.constant -3.000000e+38 : f32
    %broadcast_in_dim3A_430 = vector.broadcast %jit3A_429 : f32 to vector<128x2048xf32>
    %select_n3A_431 = arith.select %eq3A_428, %broadcast_in_dim3A_430, %select_n3A_368 : vector<128x2048xi1>, vector<128x2048xf32>
    %reduce_max3A_432 = arith.constant dense<0xFF800000> : vector<128xf32>
    %reduce_max3A_433 = vector.multi_reduction <maximumf>, %select_n3A_431, %reduce_max3A_432 [1] : vector<128x2048xf32> to vector<128xf32>
    %broadcast_in_dim3A_434 = vector.shape_cast %reduce_max3A_433 : vector<128xf32> to vector<128x1xf32>
    %eq3A_435 = vector.broadcast %broadcast_in_dim3A_434 : vector<128x1xf32> to vector<128x2048xf32>
    %eq3A_436 = arith.cmpf oeq, %select_n3A_431, %eq3A_435 : vector<128x2048xf32>
    %jit3A_437 = arith.constant 1073741824 : i32
    %broadcast_in_dim3A_438 = vector.broadcast %jit3A_437 : i32 to vector<128x2048xi32>
    %select_n3A_439 = arith.select %eq3A_436, %iota3A, %broadcast_in_dim3A_438 : vector<128x2048xi1>, vector<128x2048xi32>
    %reduce_min3A_440 = arith.constant dense<2147483647> : vector<128xi32>
    %reduce_min3A_441 = vector.multi_reduction <minsi>, %select_n3A_439, %reduce_min3A_440 [1] : vector<128x2048xi32> to vector<128xi32>
    %broadcast_in_dim3A_442 = vector.shape_cast %reduce_min3A_441 : vector<128xi32> to vector<128x1xi32>
    %jit3A_443 = arith.constant 128 : i32
    %div3A_444 = vector.broadcast %jit3A_443 : i32 to vector<128x1xi32>
    %div3A_445 = arith.divsi %broadcast_in_dim3A_442, %div3A_444 : vector<128x1xi32>
    %sign3A_446 = arith.constant 0 : i32
    %sign3A_447 = vector.broadcast %sign3A_446 : i32 to vector<128x1xi32>
    %sign3A_448 = arith.cmpi sgt, %broadcast_in_dim3A_442, %sign3A_447 : vector<128x1xi32>
    %sign3A_449 = arith.extui %sign3A_448 : vector<128x1xi1> to vector<128x1xi32>
    %sign3A_450 = arith.constant 0 : i32
    %sign3A_451 = vector.broadcast %sign3A_450 : i32 to vector<128x1xi32>
    %sign3A_452 = arith.cmpi slt, %broadcast_in_dim3A_442, %sign3A_451 : vector<128x1xi32>
    %sign3A_453 = arith.extui %sign3A_452 : vector<128x1xi1> to vector<128x1xi32>
    %sign3A_454 = arith.subi %sign3A_449, %sign3A_453 : vector<128x1xi32>
    %sign3A_455 = arith.constant 0 : i32
    %sign3A_456 = arith.cmpi sgt, %jit3A_443, %sign3A_455 : i32
    %sign3A_457 = arith.extui %sign3A_456 : i1 to i32
    %sign3A_458 = arith.constant 0 : i32
    %sign3A_459 = arith.cmpi slt, %jit3A_443, %sign3A_458 : i32
    %sign3A_460 = arith.extui %sign3A_459 : i1 to i32
    %sign3A_461 = arith.subi %sign3A_457, %sign3A_460 : i32
    %ne3A_462 = vector.broadcast %sign3A_461 : i32 to vector<128x1xi32>
    %ne3A_463 = arith.cmpi ne, %sign3A_454, %ne3A_462 : vector<128x1xi32>
    %rem3A_464 = vector.broadcast %jit3A_443 : i32 to vector<128x1xi32>
    %rem3A_465 = arith.remsi %broadcast_in_dim3A_442, %rem3A_464 : vector<128x1xi32>
    %ne3A_466 = arith.constant 0 : i32
    %ne3A_467 = vector.broadcast %ne3A_466 : i32 to vector<128x1xi32>
    %ne3A_468 = arith.cmpi ne, %rem3A_465, %ne3A_467 : vector<128x1xi32>
    %and3A_469 = arith.andi %ne3A_463, %ne3A_468 : vector<128x1xi1>
    %sub3A_470 = arith.constant 1 : i32
    %sub3A_471 = vector.broadcast %sub3A_470 : i32 to vector<128x1xi32>
    %sub3A_472 = arith.subi %div3A_445, %sub3A_471 : vector<128x1xi32>
    %select_n3A_473 = arith.select %and3A_469, %sub3A_472, %div3A_445 : vector<128x1xi1>, vector<128x1xi32>
    %eq3A_474 = vector.broadcast %select_n3A_473 : vector<128x1xi32> to vector<128x16xi32>
    %eq3A_475 = arith.cmpi eq, %iota3A_5, %eq3A_474 : vector<128x16xi32>
    %jit3A_476 = arith.constant 0 : i32
    %broadcast_in_dim3A_477 = vector.broadcast %jit3A_476 : i32 to vector<128x16xi32>
    %select_n3A_478 = arith.select %eq3A_475, %get3A_4, %broadcast_in_dim3A_477 : vector<128x16xi1>, vector<128x16xi32>
    %reduce_sum3A_479 = arith.constant dense<0> : vector<128xi32>
    %reduce_sum3A_480 = vector.multi_reduction <add>, %select_n3A_478, %reduce_sum3A_479 [1] : vector<128x16xi32> to vector<128xi32>
    %broadcast_in_dim3A_481 = vector.shape_cast %reduce_sum3A_480 : vector<128xi32> to vector<128x1xi32>
    %mul3A_482 = arith.constant 128 : i32
    %mul3A_483 = vector.broadcast %mul3A_482 : i32 to vector<128x1xi32>
    %mul3A_484 = arith.muli %broadcast_in_dim3A_481, %mul3A_483 : vector<128x1xi32>
    %mul3A_485 = arith.constant 128 : i32
    %mul3A_486 = vector.broadcast %mul3A_485 : i32 to vector<128x1xi32>
    %mul3A_487 = arith.muli %select_n3A_473, %mul3A_486 : vector<128x1xi32>
    %sub3A_488 = arith.subi %broadcast_in_dim3A_442, %mul3A_487 : vector<128x1xi32>
    %add3A_489 = arith.addi %mul3A_484, %sub3A_488 : vector<128x1xi32>
    %eq3A_490 = vector.broadcast %broadcast_in_dim3A_442 : vector<128x1xi32> to vector<128x2048xi32>
    %eq3A_491 = arith.cmpi eq, %iota3A, %eq3A_490 : vector<128x2048xi32>
    %jit3A_492 = arith.constant -3.000000e+38 : f32
    %broadcast_in_dim3A_493 = vector.broadcast %jit3A_492 : f32 to vector<128x2048xf32>
    %select_n3A_494 = arith.select %eq3A_491, %broadcast_in_dim3A_493, %select_n3A_431 : vector<128x2048xi1>, vector<128x2048xf32>
    %reduce_max3A_495 = arith.constant dense<0xFF800000> : vector<128xf32>
    %reduce_max3A_496 = vector.multi_reduction <maximumf>, %select_n3A_494, %reduce_max3A_495 [1] : vector<128x2048xf32> to vector<128xf32>
    %broadcast_in_dim3A_497 = vector.shape_cast %reduce_max3A_496 : vector<128xf32> to vector<128x1xf32>
    %eq3A_498 = vector.broadcast %broadcast_in_dim3A_497 : vector<128x1xf32> to vector<128x2048xf32>
    %eq3A_499 = arith.cmpf oeq, %select_n3A_494, %eq3A_498 : vector<128x2048xf32>
    %jit3A_500 = arith.constant 1073741824 : i32
    %broadcast_in_dim3A_501 = vector.broadcast %jit3A_500 : i32 to vector<128x2048xi32>
    %select_n3A_502 = arith.select %eq3A_499, %iota3A, %broadcast_in_dim3A_501 : vector<128x2048xi1>, vector<128x2048xi32>
    %reduce_min3A_503 = arith.constant dense<2147483647> : vector<128xi32>
    %reduce_min3A_504 = vector.multi_reduction <minsi>, %select_n3A_502, %reduce_min3A_503 [1] : vector<128x2048xi32> to vector<128xi32>
    %broadcast_in_dim3A_505 = vector.shape_cast %reduce_min3A_504 : vector<128xi32> to vector<128x1xi32>
    %jit3A_506 = arith.constant 128 : i32
    %div3A_507 = vector.broadcast %jit3A_506 : i32 to vector<128x1xi32>
    %div3A_508 = arith.divsi %broadcast_in_dim3A_505, %div3A_507 : vector<128x1xi32>
    %sign3A_509 = arith.constant 0 : i32
    %sign3A_510 = vector.broadcast %sign3A_509 : i32 to vector<128x1xi32>
    %sign3A_511 = arith.cmpi sgt, %broadcast_in_dim3A_505, %sign3A_510 : vector<128x1xi32>
    %sign3A_512 = arith.extui %sign3A_511 : vector<128x1xi1> to vector<128x1xi32>
    %sign3A_513 = arith.constant 0 : i32
    %sign3A_514 = vector.broadcast %sign3A_513 : i32 to vector<128x1xi32>
    %sign3A_515 = arith.cmpi slt, %broadcast_in_dim3A_505, %sign3A_514 : vector<128x1xi32>
    %sign3A_516 = arith.extui %sign3A_515 : vector<128x1xi1> to vector<128x1xi32>
    %sign3A_517 = arith.subi %sign3A_512, %sign3A_516 : vector<128x1xi32>
    %sign3A_518 = arith.constant 0 : i32
    %sign3A_519 = arith.cmpi sgt, %jit3A_506, %sign3A_518 : i32
    %sign3A_520 = arith.extui %sign3A_519 : i1 to i32
    %sign3A_521 = arith.constant 0 : i32
    %sign3A_522 = arith.cmpi slt, %jit3A_506, %sign3A_521 : i32
    %sign3A_523 = arith.extui %sign3A_522 : i1 to i32
    %sign3A_524 = arith.subi %sign3A_520, %sign3A_523 : i32
    %ne3A_525 = vector.broadcast %sign3A_524 : i32 to vector<128x1xi32>
    %ne3A_526 = arith.cmpi ne, %sign3A_517, %ne3A_525 : vector<128x1xi32>
    %rem3A_527 = vector.broadcast %jit3A_506 : i32 to vector<128x1xi32>
    %rem3A_528 = arith.remsi %broadcast_in_dim3A_505, %rem3A_527 : vector<128x1xi32>
    %ne3A_529 = arith.constant 0 : i32
    %ne3A_530 = vector.broadcast %ne3A_529 : i32 to vector<128x1xi32>
    %ne3A_531 = arith.cmpi ne, %rem3A_528, %ne3A_530 : vector<128x1xi32>
    %and3A_532 = arith.andi %ne3A_526, %ne3A_531 : vector<128x1xi1>
    %sub3A_533 = arith.constant 1 : i32
    %sub3A_534 = vector.broadcast %sub3A_533 : i32 to vector<128x1xi32>
    %sub3A_535 = arith.subi %div3A_508, %sub3A_534 : vector<128x1xi32>
    %select_n3A_536 = arith.select %and3A_532, %sub3A_535, %div3A_508 : vector<128x1xi1>, vector<128x1xi32>
    %eq3A_537 = vector.broadcast %select_n3A_536 : vector<128x1xi32> to vector<128x16xi32>
    %eq3A_538 = arith.cmpi eq, %iota3A_5, %eq3A_537 : vector<128x16xi32>
    %jit3A_539 = arith.constant 0 : i32
    %broadcast_in_dim3A_540 = vector.broadcast %jit3A_539 : i32 to vector<128x16xi32>
    %select_n3A_541 = arith.select %eq3A_538, %get3A_4, %broadcast_in_dim3A_540 : vector<128x16xi1>, vector<128x16xi32>
    %reduce_sum3A_542 = arith.constant dense<0> : vector<128xi32>
    %reduce_sum3A_543 = vector.multi_reduction <add>, %select_n3A_541, %reduce_sum3A_542 [1] : vector<128x16xi32> to vector<128xi32>
    %broadcast_in_dim3A_544 = vector.shape_cast %reduce_sum3A_543 : vector<128xi32> to vector<128x1xi32>
    %mul3A_545 = arith.constant 128 : i32
    %mul3A_546 = vector.broadcast %mul3A_545 : i32 to vector<128x1xi32>
    %mul3A_547 = arith.muli %broadcast_in_dim3A_544, %mul3A_546 : vector<128x1xi32>
    %mul3A_548 = arith.constant 128 : i32
    %mul3A_549 = vector.broadcast %mul3A_548 : i32 to vector<128x1xi32>
    %mul3A_550 = arith.muli %select_n3A_536, %mul3A_549 : vector<128x1xi32>
    %sub3A_551 = arith.subi %broadcast_in_dim3A_505, %mul3A_550 : vector<128x1xi32>
    %add3A_552 = arith.addi %mul3A_547, %sub3A_551 : vector<128x1xi32>
    %eq3A_553 = vector.broadcast %broadcast_in_dim3A_505 : vector<128x1xi32> to vector<128x2048xi32>
    %eq3A_554 = arith.cmpi eq, %iota3A, %eq3A_553 : vector<128x2048xi32>
    %jit3A_555 = arith.constant -3.000000e+38 : f32
    %broadcast_in_dim3A_556 = vector.broadcast %jit3A_555 : f32 to vector<128x2048xf32>
    %select_n3A_557 = arith.select %eq3A_554, %broadcast_in_dim3A_556, %select_n3A_494 : vector<128x2048xi1>, vector<128x2048xf32>
    %reduce_max3A_558 = arith.constant dense<0xFF800000> : vector<128xf32>
    %reduce_max3A_559 = vector.multi_reduction <maximumf>, %select_n3A_557, %reduce_max3A_558 [1] : vector<128x2048xf32> to vector<128xf32>
    %broadcast_in_dim3A_560 = vector.shape_cast %reduce_max3A_559 : vector<128xf32> to vector<128x1xf32>
    %eq3A_561 = vector.broadcast %broadcast_in_dim3A_560 : vector<128x1xf32> to vector<128x2048xf32>
    %eq3A_562 = arith.cmpf oeq, %select_n3A_557, %eq3A_561 : vector<128x2048xf32>
    %jit3A_563 = arith.constant 1073741824 : i32
    %broadcast_in_dim3A_564 = vector.broadcast %jit3A_563 : i32 to vector<128x2048xi32>
    %select_n3A_565 = arith.select %eq3A_562, %iota3A, %broadcast_in_dim3A_564 : vector<128x2048xi1>, vector<128x2048xi32>
    %reduce_min3A_566 = arith.constant dense<2147483647> : vector<128xi32>
    %reduce_min3A_567 = vector.multi_reduction <minsi>, %select_n3A_565, %reduce_min3A_566 [1] : vector<128x2048xi32> to vector<128xi32>
    %broadcast_in_dim3A_568 = vector.shape_cast %reduce_min3A_567 : vector<128xi32> to vector<128x1xi32>
    %jit3A_569 = arith.constant 128 : i32
    %div3A_570 = vector.broadcast %jit3A_569 : i32 to vector<128x1xi32>
    %div3A_571 = arith.divsi %broadcast_in_dim3A_568, %div3A_570 : vector<128x1xi32>
    %sign3A_572 = arith.constant 0 : i32
    %sign3A_573 = vector.broadcast %sign3A_572 : i32 to vector<128x1xi32>
    %sign3A_574 = arith.cmpi sgt, %broadcast_in_dim3A_568, %sign3A_573 : vector<128x1xi32>
    %sign3A_575 = arith.extui %sign3A_574 : vector<128x1xi1> to vector<128x1xi32>
    %sign3A_576 = arith.constant 0 : i32
    %sign3A_577 = vector.broadcast %sign3A_576 : i32 to vector<128x1xi32>
    %sign3A_578 = arith.cmpi slt, %broadcast_in_dim3A_568, %sign3A_577 : vector<128x1xi32>
    %sign3A_579 = arith.extui %sign3A_578 : vector<128x1xi1> to vector<128x1xi32>
    %sign3A_580 = arith.subi %sign3A_575, %sign3A_579 : vector<128x1xi32>
    %sign3A_581 = arith.constant 0 : i32
    %sign3A_582 = arith.cmpi sgt, %jit3A_569, %sign3A_581 : i32
    %sign3A_583 = arith.extui %sign3A_582 : i1 to i32
    %sign3A_584 = arith.constant 0 : i32
    %sign3A_585 = arith.cmpi slt, %jit3A_569, %sign3A_584 : i32
    %sign3A_586 = arith.extui %sign3A_585 : i1 to i32
    %sign3A_587 = arith.subi %sign3A_583, %sign3A_586 : i32
    %ne3A_588 = vector.broadcast %sign3A_587 : i32 to vector<128x1xi32>
    %ne3A_589 = arith.cmpi ne, %sign3A_580, %ne3A_588 : vector<128x1xi32>
    %rem3A_590 = vector.broadcast %jit3A_569 : i32 to vector<128x1xi32>
    %rem3A_591 = arith.remsi %broadcast_in_dim3A_568, %rem3A_590 : vector<128x1xi32>
    %ne3A_592 = arith.constant 0 : i32
    %ne3A_593 = vector.broadcast %ne3A_592 : i32 to vector<128x1xi32>
    %ne3A_594 = arith.cmpi ne, %rem3A_591, %ne3A_593 : vector<128x1xi32>
    %and3A_595 = arith.andi %ne3A_589, %ne3A_594 : vector<128x1xi1>
    %sub3A_596 = arith.constant 1 : i32
    %sub3A_597 = vector.broadcast %sub3A_596 : i32 to vector<128x1xi32>
    %sub3A_598 = arith.subi %div3A_571, %sub3A_597 : vector<128x1xi32>
    %select_n3A_599 = arith.select %and3A_595, %sub3A_598, %div3A_571 : vector<128x1xi1>, vector<128x1xi32>
    %eq3A_600 = vector.broadcast %select_n3A_599 : vector<128x1xi32> to vector<128x16xi32>
    %eq3A_601 = arith.cmpi eq, %iota3A_5, %eq3A_600 : vector<128x16xi32>
    %jit3A_602 = arith.constant 0 : i32
    %broadcast_in_dim3A_603 = vector.broadcast %jit3A_602 : i32 to vector<128x16xi32>
    %select_n3A_604 = arith.select %eq3A_601, %get3A_4, %broadcast_in_dim3A_603 : vector<128x16xi1>, vector<128x16xi32>
    %reduce_sum3A_605 = arith.constant dense<0> : vector<128xi32>
    %reduce_sum3A_606 = vector.multi_reduction <add>, %select_n3A_604, %reduce_sum3A_605 [1] : vector<128x16xi32> to vector<128xi32>
    %broadcast_in_dim3A_607 = vector.shape_cast %reduce_sum3A_606 : vector<128xi32> to vector<128x1xi32>
    %mul3A_608 = arith.constant 128 : i32
    %mul3A_609 = vector.broadcast %mul3A_608 : i32 to vector<128x1xi32>
    %mul3A_610 = arith.muli %broadcast_in_dim3A_607, %mul3A_609 : vector<128x1xi32>
    %mul3A_611 = arith.constant 128 : i32
    %mul3A_612 = vector.broadcast %mul3A_611 : i32 to vector<128x1xi32>
    %mul3A_613 = arith.muli %select_n3A_599, %mul3A_612 : vector<128x1xi32>
    %sub3A_614 = arith.subi %broadcast_in_dim3A_568, %mul3A_613 : vector<128x1xi32>
    %add3A_615 = arith.addi %mul3A_610, %sub3A_614 : vector<128x1xi32>
    %eq3A_616 = vector.broadcast %broadcast_in_dim3A_568 : vector<128x1xi32> to vector<128x2048xi32>
    %eq3A_617 = arith.cmpi eq, %iota3A, %eq3A_616 : vector<128x2048xi32>
    %jit3A_618 = arith.constant -3.000000e+38 : f32
    %broadcast_in_dim3A_619 = vector.broadcast %jit3A_618 : f32 to vector<128x2048xf32>
    %select_n3A_620 = arith.select %eq3A_617, %broadcast_in_dim3A_619, %select_n3A_557 : vector<128x2048xi1>, vector<128x2048xf32>
    %reduce_max3A_621 = arith.constant dense<0xFF800000> : vector<128xf32>
    %reduce_max3A_622 = vector.multi_reduction <maximumf>, %select_n3A_620, %reduce_max3A_621 [1] : vector<128x2048xf32> to vector<128xf32>
    %broadcast_in_dim3A_623 = vector.shape_cast %reduce_max3A_622 : vector<128xf32> to vector<128x1xf32>
    %eq3A_624 = vector.broadcast %broadcast_in_dim3A_623 : vector<128x1xf32> to vector<128x2048xf32>
    %eq3A_625 = arith.cmpf oeq, %select_n3A_620, %eq3A_624 : vector<128x2048xf32>
    %jit3A_626 = arith.constant 1073741824 : i32
    %broadcast_in_dim3A_627 = vector.broadcast %jit3A_626 : i32 to vector<128x2048xi32>
    %select_n3A_628 = arith.select %eq3A_625, %iota3A, %broadcast_in_dim3A_627 : vector<128x2048xi1>, vector<128x2048xi32>
    %reduce_min3A_629 = arith.constant dense<2147483647> : vector<128xi32>
    %reduce_min3A_630 = vector.multi_reduction <minsi>, %select_n3A_628, %reduce_min3A_629 [1] : vector<128x2048xi32> to vector<128xi32>
    %broadcast_in_dim3A_631 = vector.shape_cast %reduce_min3A_630 : vector<128xi32> to vector<128x1xi32>
    %jit3A_632 = arith.constant 128 : i32
    %div3A_633 = vector.broadcast %jit3A_632 : i32 to vector<128x1xi32>
    %div3A_634 = arith.divsi %broadcast_in_dim3A_631, %div3A_633 : vector<128x1xi32>
    %sign3A_635 = arith.constant 0 : i32
    %sign3A_636 = vector.broadcast %sign3A_635 : i32 to vector<128x1xi32>
    %sign3A_637 = arith.cmpi sgt, %broadcast_in_dim3A_631, %sign3A_636 : vector<128x1xi32>
    %sign3A_638 = arith.extui %sign3A_637 : vector<128x1xi1> to vector<128x1xi32>
    %sign3A_639 = arith.constant 0 : i32
    %sign3A_640 = vector.broadcast %sign3A_639 : i32 to vector<128x1xi32>
    %sign3A_641 = arith.cmpi slt, %broadcast_in_dim3A_631, %sign3A_640 : vector<128x1xi32>
    %sign3A_642 = arith.extui %sign3A_641 : vector<128x1xi1> to vector<128x1xi32>
    %sign3A_643 = arith.subi %sign3A_638, %sign3A_642 : vector<128x1xi32>
    %sign3A_644 = arith.constant 0 : i32
    %sign3A_645 = arith.cmpi sgt, %jit3A_632, %sign3A_644 : i32
    %sign3A_646 = arith.extui %sign3A_645 : i1 to i32
    %sign3A_647 = arith.constant 0 : i32
    %sign3A_648 = arith.cmpi slt, %jit3A_632, %sign3A_647 : i32
    %sign3A_649 = arith.extui %sign3A_648 : i1 to i32
    %sign3A_650 = arith.subi %sign3A_646, %sign3A_649 : i32
    %ne3A_651 = vector.broadcast %sign3A_650 : i32 to vector<128x1xi32>
    %ne3A_652 = arith.cmpi ne, %sign3A_643, %ne3A_651 : vector<128x1xi32>
    %rem3A_653 = vector.broadcast %jit3A_632 : i32 to vector<128x1xi32>
    %rem3A_654 = arith.remsi %broadcast_in_dim3A_631, %rem3A_653 : vector<128x1xi32>
    %ne3A_655 = arith.constant 0 : i32
    %ne3A_656 = vector.broadcast %ne3A_655 : i32 to vector<128x1xi32>
    %ne3A_657 = arith.cmpi ne, %rem3A_654, %ne3A_656 : vector<128x1xi32>
    %and3A_658 = arith.andi %ne3A_652, %ne3A_657 : vector<128x1xi1>
    %sub3A_659 = arith.constant 1 : i32
    %sub3A_660 = vector.broadcast %sub3A_659 : i32 to vector<128x1xi32>
    %sub3A_661 = arith.subi %div3A_634, %sub3A_660 : vector<128x1xi32>
    %select_n3A_662 = arith.select %and3A_658, %sub3A_661, %div3A_634 : vector<128x1xi1>, vector<128x1xi32>
    %eq3A_663 = vector.broadcast %select_n3A_662 : vector<128x1xi32> to vector<128x16xi32>
    %eq3A_664 = arith.cmpi eq, %iota3A_5, %eq3A_663 : vector<128x16xi32>
    %jit3A_665 = arith.constant 0 : i32
    %broadcast_in_dim3A_666 = vector.broadcast %jit3A_665 : i32 to vector<128x16xi32>
    %select_n3A_667 = arith.select %eq3A_664, %get3A_4, %broadcast_in_dim3A_666 : vector<128x16xi1>, vector<128x16xi32>
    %reduce_sum3A_668 = arith.constant dense<0> : vector<128xi32>
    %reduce_sum3A_669 = vector.multi_reduction <add>, %select_n3A_667, %reduce_sum3A_668 [1] : vector<128x16xi32> to vector<128xi32>
    %broadcast_in_dim3A_670 = vector.shape_cast %reduce_sum3A_669 : vector<128xi32> to vector<128x1xi32>
    %mul3A_671 = arith.constant 128 : i32
    %mul3A_672 = vector.broadcast %mul3A_671 : i32 to vector<128x1xi32>
    %mul3A_673 = arith.muli %broadcast_in_dim3A_670, %mul3A_672 : vector<128x1xi32>
    %mul3A_674 = arith.constant 128 : i32
    %mul3A_675 = vector.broadcast %mul3A_674 : i32 to vector<128x1xi32>
    %mul3A_676 = arith.muli %select_n3A_662, %mul3A_675 : vector<128x1xi32>
    %sub3A_677 = arith.subi %broadcast_in_dim3A_631, %mul3A_676 : vector<128x1xi32>
    %add3A_678 = arith.addi %mul3A_673, %sub3A_677 : vector<128x1xi32>
    %eq3A_679 = vector.broadcast %broadcast_in_dim3A_631 : vector<128x1xi32> to vector<128x2048xi32>
    %eq3A_680 = arith.cmpi eq, %iota3A, %eq3A_679 : vector<128x2048xi32>
    %jit3A_681 = arith.constant -3.000000e+38 : f32
    %broadcast_in_dim3A_682 = vector.broadcast %jit3A_681 : f32 to vector<128x2048xf32>
    %select_n3A_683 = arith.select %eq3A_680, %broadcast_in_dim3A_682, %select_n3A_620 : vector<128x2048xi1>, vector<128x2048xf32>
    %reduce_max3A_684 = arith.constant dense<0xFF800000> : vector<128xf32>
    %reduce_max3A_685 = vector.multi_reduction <maximumf>, %select_n3A_683, %reduce_max3A_684 [1] : vector<128x2048xf32> to vector<128xf32>
    %broadcast_in_dim3A_686 = vector.shape_cast %reduce_max3A_685 : vector<128xf32> to vector<128x1xf32>
    %eq3A_687 = vector.broadcast %broadcast_in_dim3A_686 : vector<128x1xf32> to vector<128x2048xf32>
    %eq3A_688 = arith.cmpf oeq, %select_n3A_683, %eq3A_687 : vector<128x2048xf32>
    %jit3A_689 = arith.constant 1073741824 : i32
    %broadcast_in_dim3A_690 = vector.broadcast %jit3A_689 : i32 to vector<128x2048xi32>
    %select_n3A_691 = arith.select %eq3A_688, %iota3A, %broadcast_in_dim3A_690 : vector<128x2048xi1>, vector<128x2048xi32>
    %reduce_min3A_692 = arith.constant dense<2147483647> : vector<128xi32>
    %reduce_min3A_693 = vector.multi_reduction <minsi>, %select_n3A_691, %reduce_min3A_692 [1] : vector<128x2048xi32> to vector<128xi32>
    %broadcast_in_dim3A_694 = vector.shape_cast %reduce_min3A_693 : vector<128xi32> to vector<128x1xi32>
    %jit3A_695 = arith.constant 128 : i32
    %div3A_696 = vector.broadcast %jit3A_695 : i32 to vector<128x1xi32>
    %div3A_697 = arith.divsi %broadcast_in_dim3A_694, %div3A_696 : vector<128x1xi32>
    %sign3A_698 = arith.constant 0 : i32
    %sign3A_699 = vector.broadcast %sign3A_698 : i32 to vector<128x1xi32>
    %sign3A_700 = arith.cmpi sgt, %broadcast_in_dim3A_694, %sign3A_699 : vector<128x1xi32>
    %sign3A_701 = arith.extui %sign3A_700 : vector<128x1xi1> to vector<128x1xi32>
    %sign3A_702 = arith.constant 0 : i32
    %sign3A_703 = vector.broadcast %sign3A_702 : i32 to vector<128x1xi32>
    %sign3A_704 = arith.cmpi slt, %broadcast_in_dim3A_694, %sign3A_703 : vector<128x1xi32>
    %sign3A_705 = arith.extui %sign3A_704 : vector<128x1xi1> to vector<128x1xi32>
    %sign3A_706 = arith.subi %sign3A_701, %sign3A_705 : vector<128x1xi32>
    %sign3A_707 = arith.constant 0 : i32
    %sign3A_708 = arith.cmpi sgt, %jit3A_695, %sign3A_707 : i32
    %sign3A_709 = arith.extui %sign3A_708 : i1 to i32
    %sign3A_710 = arith.constant 0 : i32
    %sign3A_711 = arith.cmpi slt, %jit3A_695, %sign3A_710 : i32
    %sign3A_712 = arith.extui %sign3A_711 : i1 to i32
    %sign3A_713 = arith.subi %sign3A_709, %sign3A_712 : i32
    %ne3A_714 = vector.broadcast %sign3A_713 : i32 to vector<128x1xi32>
    %ne3A_715 = arith.cmpi ne, %sign3A_706, %ne3A_714 : vector<128x1xi32>
    %rem3A_716 = vector.broadcast %jit3A_695 : i32 to vector<128x1xi32>
    %rem3A_717 = arith.remsi %broadcast_in_dim3A_694, %rem3A_716 : vector<128x1xi32>
    %ne3A_718 = arith.constant 0 : i32
    %ne3A_719 = vector.broadcast %ne3A_718 : i32 to vector<128x1xi32>
    %ne3A_720 = arith.cmpi ne, %rem3A_717, %ne3A_719 : vector<128x1xi32>
    %and3A_721 = arith.andi %ne3A_715, %ne3A_720 : vector<128x1xi1>
    %sub3A_722 = arith.constant 1 : i32
    %sub3A_723 = vector.broadcast %sub3A_722 : i32 to vector<128x1xi32>
    %sub3A_724 = arith.subi %div3A_697, %sub3A_723 : vector<128x1xi32>
    %select_n3A_725 = arith.select %and3A_721, %sub3A_724, %div3A_697 : vector<128x1xi1>, vector<128x1xi32>
    %eq3A_726 = vector.broadcast %select_n3A_725 : vector<128x1xi32> to vector<128x16xi32>
    %eq3A_727 = arith.cmpi eq, %iota3A_5, %eq3A_726 : vector<128x16xi32>
    %jit3A_728 = arith.constant 0 : i32
    %broadcast_in_dim3A_729 = vector.broadcast %jit3A_728 : i32 to vector<128x16xi32>
    %select_n3A_730 = arith.select %eq3A_727, %get3A_4, %broadcast_in_dim3A_729 : vector<128x16xi1>, vector<128x16xi32>
    %reduce_sum3A_731 = arith.constant dense<0> : vector<128xi32>
    %reduce_sum3A_732 = vector.multi_reduction <add>, %select_n3A_730, %reduce_sum3A_731 [1] : vector<128x16xi32> to vector<128xi32>
    %broadcast_in_dim3A_733 = vector.shape_cast %reduce_sum3A_732 : vector<128xi32> to vector<128x1xi32>
    %mul3A_734 = arith.constant 128 : i32
    %mul3A_735 = vector.broadcast %mul3A_734 : i32 to vector<128x1xi32>
    %mul3A_736 = arith.muli %broadcast_in_dim3A_733, %mul3A_735 : vector<128x1xi32>
    %mul3A_737 = arith.constant 128 : i32
    %mul3A_738 = vector.broadcast %mul3A_737 : i32 to vector<128x1xi32>
    %mul3A_739 = arith.muli %select_n3A_725, %mul3A_738 : vector<128x1xi32>
    %sub3A_740 = arith.subi %broadcast_in_dim3A_694, %mul3A_739 : vector<128x1xi32>
    %add3A_741 = arith.addi %mul3A_736, %sub3A_740 : vector<128x1xi32>
    %eq3A_742 = vector.broadcast %broadcast_in_dim3A_694 : vector<128x1xi32> to vector<128x2048xi32>
    %eq3A_743 = arith.cmpi eq, %iota3A, %eq3A_742 : vector<128x2048xi32>
    %jit3A_744 = arith.constant -3.000000e+38 : f32
    %broadcast_in_dim3A_745 = vector.broadcast %jit3A_744 : f32 to vector<128x2048xf32>
    %select_n3A_746 = arith.select %eq3A_743, %broadcast_in_dim3A_745, %select_n3A_683 : vector<128x2048xi1>, vector<128x2048xf32>
    %reduce_max3A_747 = arith.constant dense<0xFF800000> : vector<128xf32>
    %reduce_max3A_748 = vector.multi_reduction <maximumf>, %select_n3A_746, %reduce_max3A_747 [1] : vector<128x2048xf32> to vector<128xf32>
    %broadcast_in_dim3A_749 = vector.shape_cast %reduce_max3A_748 : vector<128xf32> to vector<128x1xf32>
    %eq3A_750 = vector.broadcast %broadcast_in_dim3A_749 : vector<128x1xf32> to vector<128x2048xf32>
    %eq3A_751 = arith.cmpf oeq, %select_n3A_746, %eq3A_750 : vector<128x2048xf32>
    %jit3A_752 = arith.constant 1073741824 : i32
    %broadcast_in_dim3A_753 = vector.broadcast %jit3A_752 : i32 to vector<128x2048xi32>
    %select_n3A_754 = arith.select %eq3A_751, %iota3A, %broadcast_in_dim3A_753 : vector<128x2048xi1>, vector<128x2048xi32>
    %reduce_min3A_755 = arith.constant dense<2147483647> : vector<128xi32>
    %reduce_min3A_756 = vector.multi_reduction <minsi>, %select_n3A_754, %reduce_min3A_755 [1] : vector<128x2048xi32> to vector<128xi32>
    %broadcast_in_dim3A_757 = vector.shape_cast %reduce_min3A_756 : vector<128xi32> to vector<128x1xi32>
    %jit3A_758 = arith.constant 128 : i32
    %div3A_759 = vector.broadcast %jit3A_758 : i32 to vector<128x1xi32>
    %div3A_760 = arith.divsi %broadcast_in_dim3A_757, %div3A_759 : vector<128x1xi32>
    %sign3A_761 = arith.constant 0 : i32
    %sign3A_762 = vector.broadcast %sign3A_761 : i32 to vector<128x1xi32>
    %sign3A_763 = arith.cmpi sgt, %broadcast_in_dim3A_757, %sign3A_762 : vector<128x1xi32>
    %sign3A_764 = arith.extui %sign3A_763 : vector<128x1xi1> to vector<128x1xi32>
    %sign3A_765 = arith.constant 0 : i32
    %sign3A_766 = vector.broadcast %sign3A_765 : i32 to vector<128x1xi32>
    %sign3A_767 = arith.cmpi slt, %broadcast_in_dim3A_757, %sign3A_766 : vector<128x1xi32>
    %sign3A_768 = arith.extui %sign3A_767 : vector<128x1xi1> to vector<128x1xi32>
    %sign3A_769 = arith.subi %sign3A_764, %sign3A_768 : vector<128x1xi32>
    %sign3A_770 = arith.constant 0 : i32
    %sign3A_771 = arith.cmpi sgt, %jit3A_758, %sign3A_770 : i32
    %sign3A_772 = arith.extui %sign3A_771 : i1 to i32
    %sign3A_773 = arith.constant 0 : i32
    %sign3A_774 = arith.cmpi slt, %jit3A_758, %sign3A_773 : i32
    %sign3A_775 = arith.extui %sign3A_774 : i1 to i32
    %sign3A_776 = arith.subi %sign3A_772, %sign3A_775 : i32
    %ne3A_777 = vector.broadcast %sign3A_776 : i32 to vector<128x1xi32>
    %ne3A_778 = arith.cmpi ne, %sign3A_769, %ne3A_777 : vector<128x1xi32>
    %rem3A_779 = vector.broadcast %jit3A_758 : i32 to vector<128x1xi32>
    %rem3A_780 = arith.remsi %broadcast_in_dim3A_757, %rem3A_779 : vector<128x1xi32>
    %ne3A_781 = arith.constant 0 : i32
    %ne3A_782 = vector.broadcast %ne3A_781 : i32 to vector<128x1xi32>
    %ne3A_783 = arith.cmpi ne, %rem3A_780, %ne3A_782 : vector<128x1xi32>
    %and3A_784 = arith.andi %ne3A_778, %ne3A_783 : vector<128x1xi1>
    %sub3A_785 = arith.constant 1 : i32
    %sub3A_786 = vector.broadcast %sub3A_785 : i32 to vector<128x1xi32>
    %sub3A_787 = arith.subi %div3A_760, %sub3A_786 : vector<128x1xi32>
    %select_n3A_788 = arith.select %and3A_784, %sub3A_787, %div3A_760 : vector<128x1xi1>, vector<128x1xi32>
    %eq3A_789 = vector.broadcast %select_n3A_788 : vector<128x1xi32> to vector<128x16xi32>
    %eq3A_790 = arith.cmpi eq, %iota3A_5, %eq3A_789 : vector<128x16xi32>
    %jit3A_791 = arith.constant 0 : i32
    %broadcast_in_dim3A_792 = vector.broadcast %jit3A_791 : i32 to vector<128x16xi32>
    %select_n3A_793 = arith.select %eq3A_790, %get3A_4, %broadcast_in_dim3A_792 : vector<128x16xi1>, vector<128x16xi32>
    %reduce_sum3A_794 = arith.constant dense<0> : vector<128xi32>
    %reduce_sum3A_795 = vector.multi_reduction <add>, %select_n3A_793, %reduce_sum3A_794 [1] : vector<128x16xi32> to vector<128xi32>
    %broadcast_in_dim3A_796 = vector.shape_cast %reduce_sum3A_795 : vector<128xi32> to vector<128x1xi32>
    %mul3A_797 = arith.constant 128 : i32
    %mul3A_798 = vector.broadcast %mul3A_797 : i32 to vector<128x1xi32>
    %mul3A_799 = arith.muli %broadcast_in_dim3A_796, %mul3A_798 : vector<128x1xi32>
    %mul3A_800 = arith.constant 128 : i32
    %mul3A_801 = vector.broadcast %mul3A_800 : i32 to vector<128x1xi32>
    %mul3A_802 = arith.muli %select_n3A_788, %mul3A_801 : vector<128x1xi32>
    %sub3A_803 = arith.subi %broadcast_in_dim3A_757, %mul3A_802 : vector<128x1xi32>
    %add3A_804 = arith.addi %mul3A_799, %sub3A_803 : vector<128x1xi32>
    %eq3A_805 = vector.broadcast %broadcast_in_dim3A_757 : vector<128x1xi32> to vector<128x2048xi32>
    %eq3A_806 = arith.cmpi eq, %iota3A, %eq3A_805 : vector<128x2048xi32>
    %jit3A_807 = arith.constant -3.000000e+38 : f32
    %broadcast_in_dim3A_808 = vector.broadcast %jit3A_807 : f32 to vector<128x2048xf32>
    %select_n3A_809 = arith.select %eq3A_806, %broadcast_in_dim3A_808, %select_n3A_746 : vector<128x2048xi1>, vector<128x2048xf32>
    %reduce_max3A_810 = arith.constant dense<0xFF800000> : vector<128xf32>
    %reduce_max3A_811 = vector.multi_reduction <maximumf>, %select_n3A_809, %reduce_max3A_810 [1] : vector<128x2048xf32> to vector<128xf32>
    %broadcast_in_dim3A_812 = vector.shape_cast %reduce_max3A_811 : vector<128xf32> to vector<128x1xf32>
    %eq3A_813 = vector.broadcast %broadcast_in_dim3A_812 : vector<128x1xf32> to vector<128x2048xf32>
    %eq3A_814 = arith.cmpf oeq, %select_n3A_809, %eq3A_813 : vector<128x2048xf32>
    %jit3A_815 = arith.constant 1073741824 : i32
    %broadcast_in_dim3A_816 = vector.broadcast %jit3A_815 : i32 to vector<128x2048xi32>
    %select_n3A_817 = arith.select %eq3A_814, %iota3A, %broadcast_in_dim3A_816 : vector<128x2048xi1>, vector<128x2048xi32>
    %reduce_min3A_818 = arith.constant dense<2147483647> : vector<128xi32>
    %reduce_min3A_819 = vector.multi_reduction <minsi>, %select_n3A_817, %reduce_min3A_818 [1] : vector<128x2048xi32> to vector<128xi32>
    %broadcast_in_dim3A_820 = vector.shape_cast %reduce_min3A_819 : vector<128xi32> to vector<128x1xi32>
    %jit3A_821 = arith.constant 128 : i32
    %div3A_822 = vector.broadcast %jit3A_821 : i32 to vector<128x1xi32>
    %div3A_823 = arith.divsi %broadcast_in_dim3A_820, %div3A_822 : vector<128x1xi32>
    %sign3A_824 = arith.constant 0 : i32
    %sign3A_825 = vector.broadcast %sign3A_824 : i32 to vector<128x1xi32>
    %sign3A_826 = arith.cmpi sgt, %broadcast_in_dim3A_820, %sign3A_825 : vector<128x1xi32>
    %sign3A_827 = arith.extui %sign3A_826 : vector<128x1xi1> to vector<128x1xi32>
    %sign3A_828 = arith.constant 0 : i32
    %sign3A_829 = vector.broadcast %sign3A_828 : i32 to vector<128x1xi32>
    %sign3A_830 = arith.cmpi slt, %broadcast_in_dim3A_820, %sign3A_829 : vector<128x1xi32>
    %sign3A_831 = arith.extui %sign3A_830 : vector<128x1xi1> to vector<128x1xi32>
    %sign3A_832 = arith.subi %sign3A_827, %sign3A_831 : vector<128x1xi32>
    %sign3A_833 = arith.constant 0 : i32
    %sign3A_834 = arith.cmpi sgt, %jit3A_821, %sign3A_833 : i32
    %sign3A_835 = arith.extui %sign3A_834 : i1 to i32
    %sign3A_836 = arith.constant 0 : i32
    %sign3A_837 = arith.cmpi slt, %jit3A_821, %sign3A_836 : i32
    %sign3A_838 = arith.extui %sign3A_837 : i1 to i32
    %sign3A_839 = arith.subi %sign3A_835, %sign3A_838 : i32
    %ne3A_840 = vector.broadcast %sign3A_839 : i32 to vector<128x1xi32>
    %ne3A_841 = arith.cmpi ne, %sign3A_832, %ne3A_840 : vector<128x1xi32>
    %rem3A_842 = vector.broadcast %jit3A_821 : i32 to vector<128x1xi32>
    %rem3A_843 = arith.remsi %broadcast_in_dim3A_820, %rem3A_842 : vector<128x1xi32>
    %ne3A_844 = arith.constant 0 : i32
    %ne3A_845 = vector.broadcast %ne3A_844 : i32 to vector<128x1xi32>
    %ne3A_846 = arith.cmpi ne, %rem3A_843, %ne3A_845 : vector<128x1xi32>
    %and3A_847 = arith.andi %ne3A_841, %ne3A_846 : vector<128x1xi1>
    %sub3A_848 = arith.constant 1 : i32
    %sub3A_849 = vector.broadcast %sub3A_848 : i32 to vector<128x1xi32>
    %sub3A_850 = arith.subi %div3A_823, %sub3A_849 : vector<128x1xi32>
    %select_n3A_851 = arith.select %and3A_847, %sub3A_850, %div3A_823 : vector<128x1xi1>, vector<128x1xi32>
    %eq3A_852 = vector.broadcast %select_n3A_851 : vector<128x1xi32> to vector<128x16xi32>
    %eq3A_853 = arith.cmpi eq, %iota3A_5, %eq3A_852 : vector<128x16xi32>
    %jit3A_854 = arith.constant 0 : i32
    %broadcast_in_dim3A_855 = vector.broadcast %jit3A_854 : i32 to vector<128x16xi32>
    %select_n3A_856 = arith.select %eq3A_853, %get3A_4, %broadcast_in_dim3A_855 : vector<128x16xi1>, vector<128x16xi32>
    %reduce_sum3A_857 = arith.constant dense<0> : vector<128xi32>
    %reduce_sum3A_858 = vector.multi_reduction <add>, %select_n3A_856, %reduce_sum3A_857 [1] : vector<128x16xi32> to vector<128xi32>
    %broadcast_in_dim3A_859 = vector.shape_cast %reduce_sum3A_858 : vector<128xi32> to vector<128x1xi32>
    %mul3A_860 = arith.constant 128 : i32
    %mul3A_861 = vector.broadcast %mul3A_860 : i32 to vector<128x1xi32>
    %mul3A_862 = arith.muli %broadcast_in_dim3A_859, %mul3A_861 : vector<128x1xi32>
    %mul3A_863 = arith.constant 128 : i32
    %mul3A_864 = vector.broadcast %mul3A_863 : i32 to vector<128x1xi32>
    %mul3A_865 = arith.muli %select_n3A_851, %mul3A_864 : vector<128x1xi32>
    %sub3A_866 = arith.subi %broadcast_in_dim3A_820, %mul3A_865 : vector<128x1xi32>
    %add3A_867 = arith.addi %mul3A_862, %sub3A_866 : vector<128x1xi32>
    %eq3A_868 = vector.broadcast %broadcast_in_dim3A_820 : vector<128x1xi32> to vector<128x2048xi32>
    %eq3A_869 = arith.cmpi eq, %iota3A, %eq3A_868 : vector<128x2048xi32>
    %jit3A_870 = arith.constant -3.000000e+38 : f32
    %broadcast_in_dim3A_871 = vector.broadcast %jit3A_870 : f32 to vector<128x2048xf32>
    %select_n3A_872 = arith.select %eq3A_869, %broadcast_in_dim3A_871, %select_n3A_809 : vector<128x2048xi1>, vector<128x2048xf32>
    %reduce_max3A_873 = arith.constant dense<0xFF800000> : vector<128xf32>
    %reduce_max3A_874 = vector.multi_reduction <maximumf>, %select_n3A_872, %reduce_max3A_873 [1] : vector<128x2048xf32> to vector<128xf32>
    %broadcast_in_dim3A_875 = vector.shape_cast %reduce_max3A_874 : vector<128xf32> to vector<128x1xf32>
    %eq3A_876 = vector.broadcast %broadcast_in_dim3A_875 : vector<128x1xf32> to vector<128x2048xf32>
    %eq3A_877 = arith.cmpf oeq, %select_n3A_872, %eq3A_876 : vector<128x2048xf32>
    %jit3A_878 = arith.constant 1073741824 : i32
    %broadcast_in_dim3A_879 = vector.broadcast %jit3A_878 : i32 to vector<128x2048xi32>
    %select_n3A_880 = arith.select %eq3A_877, %iota3A, %broadcast_in_dim3A_879 : vector<128x2048xi1>, vector<128x2048xi32>
    %reduce_min3A_881 = arith.constant dense<2147483647> : vector<128xi32>
    %reduce_min3A_882 = vector.multi_reduction <minsi>, %select_n3A_880, %reduce_min3A_881 [1] : vector<128x2048xi32> to vector<128xi32>
    %broadcast_in_dim3A_883 = vector.shape_cast %reduce_min3A_882 : vector<128xi32> to vector<128x1xi32>
    %jit3A_884 = arith.constant 128 : i32
    %div3A_885 = vector.broadcast %jit3A_884 : i32 to vector<128x1xi32>
    %div3A_886 = arith.divsi %broadcast_in_dim3A_883, %div3A_885 : vector<128x1xi32>
    %sign3A_887 = arith.constant 0 : i32
    %sign3A_888 = vector.broadcast %sign3A_887 : i32 to vector<128x1xi32>
    %sign3A_889 = arith.cmpi sgt, %broadcast_in_dim3A_883, %sign3A_888 : vector<128x1xi32>
    %sign3A_890 = arith.extui %sign3A_889 : vector<128x1xi1> to vector<128x1xi32>
    %sign3A_891 = arith.constant 0 : i32
    %sign3A_892 = vector.broadcast %sign3A_891 : i32 to vector<128x1xi32>
    %sign3A_893 = arith.cmpi slt, %broadcast_in_dim3A_883, %sign3A_892 : vector<128x1xi32>
    %sign3A_894 = arith.extui %sign3A_893 : vector<128x1xi1> to vector<128x1xi32>
    %sign3A_895 = arith.subi %sign3A_890, %sign3A_894 : vector<128x1xi32>
    %sign3A_896 = arith.constant 0 : i32
    %sign3A_897 = arith.cmpi sgt, %jit3A_884, %sign3A_896 : i32
    %sign3A_898 = arith.extui %sign3A_897 : i1 to i32
    %sign3A_899 = arith.constant 0 : i32
    %sign3A_900 = arith.cmpi slt, %jit3A_884, %sign3A_899 : i32
    %sign3A_901 = arith.extui %sign3A_900 : i1 to i32
    %sign3A_902 = arith.subi %sign3A_898, %sign3A_901 : i32
    %ne3A_903 = vector.broadcast %sign3A_902 : i32 to vector<128x1xi32>
    %ne3A_904 = arith.cmpi ne, %sign3A_895, %ne3A_903 : vector<128x1xi32>
    %rem3A_905 = vector.broadcast %jit3A_884 : i32 to vector<128x1xi32>
    %rem3A_906 = arith.remsi %broadcast_in_dim3A_883, %rem3A_905 : vector<128x1xi32>
    %ne3A_907 = arith.constant 0 : i32
    %ne3A_908 = vector.broadcast %ne3A_907 : i32 to vector<128x1xi32>
    %ne3A_909 = arith.cmpi ne, %rem3A_906, %ne3A_908 : vector<128x1xi32>
    %and3A_910 = arith.andi %ne3A_904, %ne3A_909 : vector<128x1xi1>
    %sub3A_911 = arith.constant 1 : i32
    %sub3A_912 = vector.broadcast %sub3A_911 : i32 to vector<128x1xi32>
    %sub3A_913 = arith.subi %div3A_886, %sub3A_912 : vector<128x1xi32>
    %select_n3A_914 = arith.select %and3A_910, %sub3A_913, %div3A_886 : vector<128x1xi1>, vector<128x1xi32>
    %eq3A_915 = vector.broadcast %select_n3A_914 : vector<128x1xi32> to vector<128x16xi32>
    %eq3A_916 = arith.cmpi eq, %iota3A_5, %eq3A_915 : vector<128x16xi32>
    %jit3A_917 = arith.constant 0 : i32
    %broadcast_in_dim3A_918 = vector.broadcast %jit3A_917 : i32 to vector<128x16xi32>
    %select_n3A_919 = arith.select %eq3A_916, %get3A_4, %broadcast_in_dim3A_918 : vector<128x16xi1>, vector<128x16xi32>
    %reduce_sum3A_920 = arith.constant dense<0> : vector<128xi32>
    %reduce_sum3A_921 = vector.multi_reduction <add>, %select_n3A_919, %reduce_sum3A_920 [1] : vector<128x16xi32> to vector<128xi32>
    %broadcast_in_dim3A_922 = vector.shape_cast %reduce_sum3A_921 : vector<128xi32> to vector<128x1xi32>
    %mul3A_923 = arith.constant 128 : i32
    %mul3A_924 = vector.broadcast %mul3A_923 : i32 to vector<128x1xi32>
    %mul3A_925 = arith.muli %broadcast_in_dim3A_922, %mul3A_924 : vector<128x1xi32>
    %mul3A_926 = arith.constant 128 : i32
    %mul3A_927 = vector.broadcast %mul3A_926 : i32 to vector<128x1xi32>
    %mul3A_928 = arith.muli %select_n3A_914, %mul3A_927 : vector<128x1xi32>
    %sub3A_929 = arith.subi %broadcast_in_dim3A_883, %mul3A_928 : vector<128x1xi32>
    %add3A_930 = arith.addi %mul3A_925, %sub3A_929 : vector<128x1xi32>
    %eq3A_931 = vector.broadcast %broadcast_in_dim3A_883 : vector<128x1xi32> to vector<128x2048xi32>
    %eq3A_932 = arith.cmpi eq, %iota3A, %eq3A_931 : vector<128x2048xi32>
    %jit3A_933 = arith.constant -3.000000e+38 : f32
    %broadcast_in_dim3A_934 = vector.broadcast %jit3A_933 : f32 to vector<128x2048xf32>
    %select_n3A_935 = arith.select %eq3A_932, %broadcast_in_dim3A_934, %select_n3A_872 : vector<128x2048xi1>, vector<128x2048xf32>
    %reduce_max3A_936 = arith.constant dense<0xFF800000> : vector<128xf32>
    %reduce_max3A_937 = vector.multi_reduction <maximumf>, %select_n3A_935, %reduce_max3A_936 [1] : vector<128x2048xf32> to vector<128xf32>
    %broadcast_in_dim3A_938 = vector.shape_cast %reduce_max3A_937 : vector<128xf32> to vector<128x1xf32>
    %eq3A_939 = vector.broadcast %broadcast_in_dim3A_938 : vector<128x1xf32> to vector<128x2048xf32>
    %eq3A_940 = arith.cmpf oeq, %select_n3A_935, %eq3A_939 : vector<128x2048xf32>
    %jit3A_941 = arith.constant 1073741824 : i32
    %broadcast_in_dim3A_942 = vector.broadcast %jit3A_941 : i32 to vector<128x2048xi32>
    %select_n3A_943 = arith.select %eq3A_940, %iota3A, %broadcast_in_dim3A_942 : vector<128x2048xi1>, vector<128x2048xi32>
    %reduce_min3A_944 = arith.constant dense<2147483647> : vector<128xi32>
    %reduce_min3A_945 = vector.multi_reduction <minsi>, %select_n3A_943, %reduce_min3A_944 [1] : vector<128x2048xi32> to vector<128xi32>
    %broadcast_in_dim3A_946 = vector.shape_cast %reduce_min3A_945 : vector<128xi32> to vector<128x1xi32>
    %jit3A_947 = arith.constant 128 : i32
    %div3A_948 = vector.broadcast %jit3A_947 : i32 to vector<128x1xi32>
    %div3A_949 = arith.divsi %broadcast_in_dim3A_946, %div3A_948 : vector<128x1xi32>
    %sign3A_950 = arith.constant 0 : i32
    %sign3A_951 = vector.broadcast %sign3A_950 : i32 to vector<128x1xi32>
    %sign3A_952 = arith.cmpi sgt, %broadcast_in_dim3A_946, %sign3A_951 : vector<128x1xi32>
    %sign3A_953 = arith.extui %sign3A_952 : vector<128x1xi1> to vector<128x1xi32>
    %sign3A_954 = arith.constant 0 : i32
    %sign3A_955 = vector.broadcast %sign3A_954 : i32 to vector<128x1xi32>
    %sign3A_956 = arith.cmpi slt, %broadcast_in_dim3A_946, %sign3A_955 : vector<128x1xi32>
    %sign3A_957 = arith.extui %sign3A_956 : vector<128x1xi1> to vector<128x1xi32>
    %sign3A_958 = arith.subi %sign3A_953, %sign3A_957 : vector<128x1xi32>
    %sign3A_959 = arith.constant 0 : i32
    %sign3A_960 = arith.cmpi sgt, %jit3A_947, %sign3A_959 : i32
    %sign3A_961 = arith.extui %sign3A_960 : i1 to i32
    %sign3A_962 = arith.constant 0 : i32
    %sign3A_963 = arith.cmpi slt, %jit3A_947, %sign3A_962 : i32
    %sign3A_964 = arith.extui %sign3A_963 : i1 to i32
    %sign3A_965 = arith.subi %sign3A_961, %sign3A_964 : i32
    %ne3A_966 = vector.broadcast %sign3A_965 : i32 to vector<128x1xi32>
    %ne3A_967 = arith.cmpi ne, %sign3A_958, %ne3A_966 : vector<128x1xi32>
    %rem3A_968 = vector.broadcast %jit3A_947 : i32 to vector<128x1xi32>
    %rem3A_969 = arith.remsi %broadcast_in_dim3A_946, %rem3A_968 : vector<128x1xi32>
    %ne3A_970 = arith.constant 0 : i32
    %ne3A_971 = vector.broadcast %ne3A_970 : i32 to vector<128x1xi32>
    %ne3A_972 = arith.cmpi ne, %rem3A_969, %ne3A_971 : vector<128x1xi32>
    %and3A_973 = arith.andi %ne3A_967, %ne3A_972 : vector<128x1xi1>
    %sub3A_974 = arith.constant 1 : i32
    %sub3A_975 = vector.broadcast %sub3A_974 : i32 to vector<128x1xi32>
    %sub3A_976 = arith.subi %div3A_949, %sub3A_975 : vector<128x1xi32>
    %select_n3A_977 = arith.select %and3A_973, %sub3A_976, %div3A_949 : vector<128x1xi1>, vector<128x1xi32>
    %eq3A_978 = vector.broadcast %select_n3A_977 : vector<128x1xi32> to vector<128x16xi32>
    %eq3A_979 = arith.cmpi eq, %iota3A_5, %eq3A_978 : vector<128x16xi32>
    %jit3A_980 = arith.constant 0 : i32
    %broadcast_in_dim3A_981 = vector.broadcast %jit3A_980 : i32 to vector<128x16xi32>
    %select_n3A_982 = arith.select %eq3A_979, %get3A_4, %broadcast_in_dim3A_981 : vector<128x16xi1>, vector<128x16xi32>
    %reduce_sum3A_983 = arith.constant dense<0> : vector<128xi32>
    %reduce_sum3A_984 = vector.multi_reduction <add>, %select_n3A_982, %reduce_sum3A_983 [1] : vector<128x16xi32> to vector<128xi32>
    %broadcast_in_dim3A_985 = vector.shape_cast %reduce_sum3A_984 : vector<128xi32> to vector<128x1xi32>
    %mul3A_986 = arith.constant 128 : i32
    %mul3A_987 = vector.broadcast %mul3A_986 : i32 to vector<128x1xi32>
    %mul3A_988 = arith.muli %broadcast_in_dim3A_985, %mul3A_987 : vector<128x1xi32>
    %mul3A_989 = arith.constant 128 : i32
    %mul3A_990 = vector.broadcast %mul3A_989 : i32 to vector<128x1xi32>
    %mul3A_991 = arith.muli %select_n3A_977, %mul3A_990 : vector<128x1xi32>
    %sub3A_992 = arith.subi %broadcast_in_dim3A_946, %mul3A_991 : vector<128x1xi32>
    %add3A_993 = arith.addi %mul3A_988, %sub3A_992 : vector<128x1xi32>
    %concatenate3A = tpu.concatenate %broadcast_in_dim3A, %broadcast_in_dim3A_56, %broadcast_in_dim3A_119, %broadcast_in_dim3A_182, %broadcast_in_dim3A_245, %broadcast_in_dim3A_308, %broadcast_in_dim3A_371, %broadcast_in_dim3A_434, %broadcast_in_dim3A_497, %broadcast_in_dim3A_560, %broadcast_in_dim3A_623, %broadcast_in_dim3A_686, %broadcast_in_dim3A_749, %broadcast_in_dim3A_812, %broadcast_in_dim3A_875, %broadcast_in_dim3A_938 in 1 : vector<128x1xf32>, vector<128x1xf32>, vector<128x1xf32>, vector<128x1xf32>, vector<128x1xf32>, vector<128x1xf32>, vector<128x1xf32>, vector<128x1xf32>, vector<128x1xf32>, vector<128x1xf32>, vector<128x1xf32>, vector<128x1xf32>, vector<128x1xf32>, vector<128x1xf32>, vector<128x1xf32>, vector<128x1xf32> -> vector<128x16xf32>
    %swap3A = arith.constant 0 : index
    %swap3A_994 = arith.constant 0 : index
    %swap3A_995 = vector.load %arg3[%swap3A, %swap3A_994] : memref<128x16xf32, #tpu.memory_space<vmem>>, vector<128x16xf32>
    tpu.vector_store %arg3[%swap3A, %swap3A_994], %concatenate3A {strides = array<i32>} : memref<128x16xf32, #tpu.memory_space<vmem>>, vector<128x16xf32>,
    %concatenate3A_996 = tpu.concatenate %add3A, %add3A_111, %add3A_174, %add3A_237, %add3A_300, %add3A_363, %add3A_426, %add3A_489, %add3A_552, %add3A_615, %add3A_678, %add3A_741, %add3A_804, %add3A_867, %add3A_930, %add3A_993 in 1 : vector<128x1xi32>, vector<128x1xi32>, vector<128x1xi32>, vector<128x1xi32>, vector<128x1xi32>, vector<128x1xi32>, vector<128x1xi32>, vector<128x1xi32>, vector<128x1xi32>, vector<128x1xi32>, vector<128x1xi32>, vector<128x1xi32>, vector<128x1xi32>, vector<128x1xi32>, vector<128x1xi32>, vector<128x1xi32> -> vector<128x16xi32>
    %swap3A_997 = arith.constant 0 : index
    %swap3A_998 = arith.constant 0 : index
    %swap3A_999 = vector.load %arg4[%swap3A_997, %swap3A_998] : memref<128x16xi32, #tpu.memory_space<vmem>>, vector<128x16xi32>
    tpu.vector_store %arg4[%swap3A_997, %swap3A_998], %concatenate3A_996 {strides = array<i32>} : memref<128x16xi32, #tpu.memory_space<vmem>>, vector<128x16xi32>,
    return
  }
  func.func @transform_0(%arg0: i32) -> (i32, i32) {
    %c0_i32 = arith.constant 0 : i32
    %c0_i32_0 = arith.constant 0 : i32
    return %arg0, %c0_i32 : i32, i32
  }
  func.func @transform_1(%arg0: i32) -> (i32, i32) {
    %c0_i32 = arith.constant 0 : i32
    %c0_i32_0 = arith.constant 0 : i32
    return %arg0, %c0_i32 : i32, i32
  }
  func.func @transform_2(%arg0: i32) -> (i32, i32) {
    %c0_i32 = arith.constant 0 : i32
    %c0_i32_0 = arith.constant 0 : i32
    return %arg0, %c0_i32 : i32, i32
  }
  func.func @transform_3(%arg0: i32) -> (i32, i32) {
    %c0_i32 = arith.constant 0 : i32
    %c0_i32_0 = arith.constant 0 : i32
    return %arg0, %c0_i32 : i32, i32
  }
}

</mosaic_0001>

<sc_bundles>
// kernel: kernel.6.cloned.1.call-start
scs
__scs_entry_jumppad:
0x0: {  	(pc) =	sbr.rel $0x88, $3  }
0x1: {  	(tag) =	ssettag $0x0;
	lr =	simm.s32 $0x1  }
0x2: {  	[smem:$0x3F9F] =	sst lr;
	_ =	strace $0xD0000000  }
0x3: {  	_ = 	snop  }
0x4: {  	_ = 	snop  }
0x5: {  	_ = 	snop  }
0x6: {  	_ = 	snop  }
0x7: {  	_ = 	snop  }
__scs_overlays_trampoline_lowered:
0x8: {  	[smem:$0x3FAE] =	sst s0  }
0x9: {  	[smem:$0x3FAF] =	sst s1  }
0xa: {  	[smem:$0x3FB0] =	sst s2  }
0xb: {  	[smem:$0x3FB1] =	sst s3  }
0xc: {  	[smem:$0x3FB2] =	sst s4  }
0xd: {  	[smem:$0x3FB3] =	sst s5  }
0xe: {  	[smem:$0x3FB4] =	sst s6  }
0xf: {  	[smem:$0x3FB5] =	sst s7  }
0x10: {  	[smem:$0x3FB6] =	sst s8  }
0x11: {  	[smem:$0x3FB7] =	sst s9;
	s0 =	simm.s32 @!p0 $0x0  }
0x12: {  	s1 =	sld [smem:$0x3F9D];
	s0 =	simm.s32 @p0 $0x1  }
0x13: {  	[smem:$0x3FB8] =	sst s0;
	s0 =	simm.s32 @!p1 $0x0  }
0x14: {  	s2 =	sld [smem:$0x3F9C];
	s0 =	simm.s32 @p1 $0x1  }
0x15: {  	[smem:$0x3FB9] =	sst s0;
	s0 =	simm.s32 @!p2 $0x0  }
0x16: {  	s3 =	sld [smem:$0x3FDB];
	s0 =	simm.s32 @p2 $0x1  }
0x17: {  	s4 =	simm.s32 $0x1BF5;
	[smem:$0x3FBB] =	sst s0  }
0x18: {  	s0 =	sld [smem:$0x3F9E];
	_ =	swait.ge [sflag:s4], $0x0  }
0x19: {  	s7 =	sld [smem:$0x3F9F]  }
0x1a: {  	s8 =	sadd.s32 $0xFFFFE003, lr  }
0x1b: {  	s9 =	sadd.s32 $0xFFFFFEF7, lr;
	s5 =	simm.s32 $0xFFFFFFFF;
	p2 =	slt.u32 s8, $0xFFFFF086  }
0x1c: {  	p1 =	slt.u32 s9, $0xF7A;
	s5 =	simm.s32 @!p2 $0x0  }
0x1d: {  	s5 =	simm.s32 @p1 $0x1;
	p0 =	seq.s32 s7, s2  }
0x1e: {  	s7 =	smul.u32 @!p0 $0xF7A, s2;
	p2 =	seq.s32 @!p0 s5, $0x0  }
0x1f: {  	s9 =	smul.u32 $0xF7A, s1;
	s8 =	simm.s32 @!p0 $0x1BF5;
	p2 =	por !p2, p0  }
0x20: {  	[sflag:s8] =	ssyncset.s32 @!p0 $0xFFFFF086;
	s6 =	sadd.s32 @!p0 s3, s7;
	s7 =	simm.s32 @!p0 $0x108  }
0x21: {  	s3 =	sadd.s32 s3, s9;
	s6 =	sadd.s32 @!p0 $0x88, s6;
	s7 =	simm.s32 @p2 $0x1082  }
0x22: {  	[simem:s7], [sflag:s8] =	dma.local @!p0 [hbm:s6], $0xF7A  }
0x23: {  	s9 =	sor.u32 $0xD0000000, s2;
	s6 =	simm.s32 $0x108;
	_ =	swait.ge @!p0 [sflag:s8], $0x0  }
0x24: {  	s3 =	sadd.s32 $0x88, s3;
	s6 =	simm.s32 @!p1 $0x1082;
	[sflag:s4] =	ssyncset.s32 $0xFFFFF086  }
0x25: {  	[simem:s6], [sflag:s4] =	dma.local [hbm:s3], $0xF7A  }
0x26: {  	[smem:$0x3F9F] =	sst s1;
	(tag) =	ssettag s2;
	_ =	strace s9  }
0x27: {  	s1 =	sld [smem:$0x3FAF]  }
0x28: {  	s2 =	sld [smem:$0x3FB0]  }
0x29: {  	s4 =	sld [smem:$0x3FB2]  }
0x2a: {  	p0 =	seq.s32 s5, $0x0;
	s5 =	sld [smem:$0x3FB3]  }
0x2b: {  	s6 =	sld [smem:$0x3FB4]  }
0x2c: {  	s7 =	sld [smem:$0x3FB5]  }
0x2d: {  	s3 =	simm.s32 $0x108;
	s8 =	sld [smem:$0x3FB6]  }
0x2e: {  	s3 =	simm.s32 @!p0 $0x1082;
	s9 =	sld [smem:$0x3FB7]  }
0x2f: {  	lr =	sadd.s32 s0, s3;
	s0 =	sld [smem:$0x3FAE]  }
0x30: {  	s3 =	sld [smem:$0x3FB1]  }
0x31: {  	[smem:$0x3FBA] =	sst s10  }
0x32: {  	s10 =	sld [smem:$0x3FB8];
	_ =	sdelay $0x3  }
0x33: {  	p0 =	seq.s32 s10, $0x1;
	s10 =	sld [smem:$0x3FBA];
	_ =	sdelay $0x3  }
0x34: {  	[smem:$0x3FBA] =	sst s10  }
0x35: {  	s10 =	sld [smem:$0x3FB9];
	_ =	sdelay $0x3  }
0x36: {  	p1 =	seq.s32 s10, $0x1;
	s10 =	sld [smem:$0x3FBA];
	_ =	sdelay $0x3  }
0x37: {  	[smem:$0x3FBA] =	sst s10  }
0x38: {  	s10 =	sld [smem:$0x3FBB]  }
0x39: {  	_ = 	snop;
	(pc) =	sbr.ind lr, $3  }
0x3a: {  	_ = 	snop  }
0x3b: {  	_ = 	snop  }
0x3c: {  	p2 =	seq.s32 s10, $0x1;
	s10 =	sld [smem:$0x3FBA]  }
0x3d: {  	_ =	shalt  }
0x3e: {  	_ =	shalt  }
0x3f: {  	_ =	shalt  }
0x40: {  	_ =	shalt  }
0x41: {  	_ =	shalt  }
0x42: {  	_ =	shalt  }
0x43: {  	_ =	shalt  }
0x44: {  	_ =	shalt  }
0x45: {  	_ =	shalt  }
0x46: {  	_ =	shalt  }
0x47: {  	_ =	shalt  }
0x48: {  	_ =	shalt  }
0x49: {  	_ =	shalt  }
0x4a: {  	_ =	shalt  }
0x4b: {  	_ =	shalt  }
0x4c: {  	_ =	shalt  }
0x4d: {  	_ =	shalt  }
0x4e: {  	_ =	shalt  }
0x4f: {  	_ =	shalt  }
0x50: {  	_ =	shalt  }
0x51: {  	_ =	shalt  }
0x52: {  	_ =	shalt  }
0x53: {  	_ =	shalt  }
0x54: {  	_ =	shalt  }
0x55: {  	_ =	shalt  }
0x56: {  	_ =	shalt  }
0x57: {  	_ =	shalt  }
0x58: {  	_ =	shalt  }
0x59: {  	_ =	shalt  }
0x5a: {  	_ =	shalt  }
0x5b: {  	_ =	shalt  }
0x5c: {  	_ =	shalt  }
0x5d: {  	_ =	shalt  }
0x5e: {  	_ =	shalt  }
0x5f: {  	_ =	shalt  }
0x60: {  	_ =	shalt  }
0x61: {  	_ =	shalt  }
0x62: {  	_ =	shalt  }
0x63: {  	_ =	shalt  }
0x64: {  	_ =	shalt  }
0x65: {  	_ =	shalt  }
0x66: {  	_ =	shalt  }
0x67: {  	_ =	shalt  }
0x68: {  	_ =	shalt  }
0x69: {  	_ =	shalt  }
0x6a: {  	_ =	shalt  }
0x6b: {  	_ =	shalt  }
0x6c: {  	_ =	shalt  }
0x6d: {  	_ =	shalt  }
0x6e: {  	_ =	shalt  }
0x6f: {  	_ =	shalt  }
0x70: {  	_ =	shalt  }
0x71: {  	_ =	shalt  }
0x72: {  	_ =	shalt  }
0x73: {  	_ =	shalt  }
0x74: {  	_ =	shalt  }
0x75: {  	_ =	shalt  }
0x76: {  	_ =	shalt  }
0x77: {  	_ =	shalt  }
0x78: {  	_ =	shalt  }
0x79: {  	_ =	shalt  }
0x7a: {  	_ =	shalt  }
0x7b: {  	_ =	shalt  }
0x7c: {  	_ =	shalt  }
0x7d: {  	_ =	shalt  }
0x7e: {  	_ =	shalt  }
0x7f: {  	_ =	shalt  }
0x80: {  	_ =	shalt  }
0x81: {  	_ =	shalt  }
0x82: {  	_ =	shalt  }
0x83: {  	_ =	shalt  }
0x84: {  	_ =	shalt  }
0x85: {  	_ =	shalt  }
0x86: {  	_ =	shalt  }
0x87: {  	_ =	shalt  }
.Lfunc_end0:
.L_simem_size_0:
called_computation_lowered:
.L_overlay_start_0:
0x88: {  	s2 =	sld [smem:$0x3FD9]  }
0x89: {  	s3 =	sld [smem:$0x3FFE];
	_ =	sdelay $0x1  }
0x8a: {  	s1 =	srdreg.scid  }
0x8b: {  	s0 =	sand.u32 $0x1, s1  }
0x8c: {  	s14 =	sshll.u32 s0, $0xA;
	s2 =	sadd.s32 s3, s2  }
0x8d: {  	s2 =	sadd.s32 s2, s14  }
0x8e: {  	[smem:$0x3FC6] =	sst s2  }
0x8f: {  	_ = 	snop  }
0x90: {  	s2 =	sld [smem:$0x3FD0];
	_ =	sdelay $0x2  }
0x91: {  	s15 =	simm.s32 $0xA;
	s4 =	simm.s32 $0x10  }
0x92: {  	[smem:s4], [sflag:s15] =	dma.local [hbm:s2], $0x1  }
0x93: {  	_ =	swait.eq [sflag:s15], $0x1  }
0x94: {  	[sflag:s15] =	ssyncset.done $0x0  }
0x95: {  	[sflag:s15] =	ssyncadd.s32 $0xFFFFFFFF  }
0x96: {  	s16 =	sld [smem:$0x11];
	(tm) =	ssettm $0x1  }
0x97: {  	s17 =	sld [smem:$0x3FFB];
	_ =	sdelay $0x3  }
0x98: {  	_ =	strace s17  }
0x99: {  	s3 =	sld [smem:$0x3FFC];
	_ =	sdelay $0x3  }
0x9a: {  	_ =	strace s3  }
0x9b: {  	s3 =	sld [smem:$0x3FFD];
	_ =	sdelay $0x3  }
0x9c: {  	_ =	strace s3  }
0x9d: {  	_ =	strace $0x8FFFFFFF  }
0x9e: {  	s18 =	sld [smem:$0x3FDB];
	_ =	sdelay $0x1  }
0x9f: {  	s19 =	simm.s32 $_scs_section_size  }
0xa0: {  	s5 =	simm.s32 $_size__tile_overlayer_lowered;
	s6 =	simm.s32 $_tile_overlayer_lowered  }
0xa1: {  	s22 =	simm.s32 $0x1BFF;
	s21 =	sshll.u32 s6, $0x1;
	s3 =	sadd.s32 s19, s18  }
0xa2: {  	s7 =	simm.s32 $0x0;
	s20 =	sshll.u32 s5, $0x1;
	s5 =	sadd.s32 s21, s3  }
0xa3: {  	[timem:s7], [sflag:s22] =	dma.local [hbm:s5], s20  }
0xa4: {  	_ =	swait.ge [sflag:s22], s20  }
0xa5: {  	s4 =	ssub.s32 $0x0, s20;
	[sflag:s22] =	ssyncset.done $0x0  }
0xa6: {  	[sflag:s22] =	ssyncadd.s32 s4;
	_ =	sdelay $0x1  }
0xa7: {  	s23 =	simm.s32 $0x1B8B  }
0xa8: {  	_ =	swait.ge [sflag:s23], $0x1  }
0xa9: {  	[sflag:s23] =	ssyncset.done $0x0  }
0xaa: {  	s25 =	simm.s32 $0x1B8E;
	s24 =	sld [smem:$0x3FFE];
	[sflag:s23] =	ssyncadd.s32 $0xFFFFFFFF  }
0xab: {  	s26 =	simm.s32 $execute0_lowered;
	[smem:$0x3FD2] =	sst s25  }
0xac: {  	s5 =	sshll.u32 s26, $0x1;
	_ =	strace $0x80000046;
	[dreg:$0x1] =	wrdreg $0xFFFFFFFF  }
0xad: {  	s28 =	simm.s32 $_size_execute0_lowered;
	s3 =	sadd.s32 s3, s5;
	[dreg:$0x0] =	wrdreg $0x0  }
0xae: {  	s5 =	sshll.u32 s28, $0x1;
	[dreg:$0x2] =	wrdreg s3  }
0xaf: {  	[dreg:$0x3] =	wrdreg s5  }
0xb0: {  	[dreg:$0x4] =	wrdreg $0xC0  }
0xb1: {  	_ =	task [dreg:s7], $0x5FFFF  }
0xb2: {  	[dreg:$0x1] =	wrdreg $0xFFFFFFFF  }
0xb3: {  	[dreg:$0x0] =	wrdreg $0x60  }
0xb4: {  	[dreg:$0x2] =	wrdreg s24  }
0xb5: {  	[dreg:$0x3] =	wrdreg s16  }
0xb6: {  	[dreg:$0x4] =	wrdreg $0x9  }
0xb7: {  	_ =	task.clear_ibuf [dreg:s7], $0x5FFFF;
	_ =	strace $0x90000046  }
0xb8: {  	s29 =	simm.s32 $0x9;
	_ =	strace $0x80000048  }
0xb9: {  	_ =	swait.ge [sflag:s29], $0x1  }
0xba: {  	[sflag:s29] =	ssyncadd.s32 $0xFFFFFFFF  }
0xbb: {  	_ =	strace $0x90000048  }
0xbc: {  	_ =	sfence  }
0xbd: {  	s30 =	sld [smem:$0x0];
	_ =	sdelay $0x2  }
0xbe: {  	s31 =	sshll.u32 s1, $0xD;
	s1 =	sshrl.u32 s1, $0x2  }
0xbf: {  	s3 =	sand.u32 $0x4000, s31;
	s1 =	sadd.s32 s1, s30  }
0xc0: {  	s0 =	sor.u32 s3, s0;
	s1 =	sshll.u32 s1, $0x11  }
0xc1: {  	s0 =	sor.u32 s1, s0  }
0xc2: {  	s0 =	sadd.s32 $0x8F2B, s0  }
0xc3: {  	[sflag:s0] =	ssyncadd.remote.s32 $0x1  }
0xc4: {  	_ =	sfence.sel $0xFFFF  }
0xc5: {  	[dreg:$0x0] =	wrdreg $0xFFFFFFFF;
	(pc) =	sbr.abs _section_cstart, $3  }
0xc6: {  	[dreg:$0x1] =	wrdreg $0xFFFFFFFF  }
0xc7: {  	_ =	task.clear_ibuf [dreg:s7], $0x2FFFF;
	_ =	strace $0x9FFFFFFF  }
0xc8: {  	(tm) =	ssettm $0x7FFFFFFF  }
0xc9: {  	_ =	shalt  }
tec
execute0_lowered:
.L_overlay_start_1:
0x0: {  	(tag) =	ssettag $0x1  }
0x1: {  	s14 =	rddreg [dreg:$0x0]  }
0x2: {  	s3 =	rddreg [dreg:$0x1];
	s1 =	srdreg.scid  }
0x3: {  	s0 =	rddreg [dreg:$0x2];
	s15 =	sand.u32 $0x1, s1  }
0x4: {  	s2 =	simm.s32 $0x0;
	s1 =	stileid.u32;
	s4 =	sshll.u32 s15, $0x6  }
0x5: {  	[smem:$0x7FF] =	sst s2;
	s5 =	sshll.u32 s1, $0x7;
	s3 =	sadd.s32 s3, s4  }
0x6: {  	_ =	strace $0x80000047;
	s4 =	sadd.s32 s5, s3;
	s3 =	simm.s32 $0x2  }
0x7: {  	[tilespmem:s2], [sflag:$0x2] =	stream.linear.gather [hbm4b:s4+s2], $0x200, $0x38;
	[tilespmem:$0x10200] =	vst v63  }
0x8: {  	_ =	swait.ge [sflag:s3], $0x200  }
0x9: {  	s6 =	simm.s32 $0x80;
	[sflag:s3] =	ssyncset.done $0x0  }
0xa: {  	s7 =	simm.s32 $0x200;
	s5 =	sadd.s32 $0xD05000, s14;
	[sflag:s3] =	ssyncadd.s32 $0xFFFFFE00  }
0xb: {  	[tilespmem:s7], [sflag:$0x1] =	stream.indirect.gather [hbm4b:s5+s6], $0x80, s2, s6, $0xb8;
	[tilespmem:$0x10200] =	vst v63  }
0xc: {  	s8 =	simm.s32 $0x4200  }
0xd: {  	[tilespmem:s8], [sflag:$0x1] =	stream.indirect.gather [hbm4b:s5+s6], $0x80, s6, s6, $0xb8;
	[tilespmem:$0x10200] =	vst v63  }
0xe: {  	s9 =	simm.s32 $0x100;
	s10 =	simm.s32 $0x8200  }
0xf: {  	[tilespmem:s10], [sflag:$0x1] =	stream.indirect.gather [hbm4b:s5+s6], $0x80, s9, s6, $0xb8;
	[tilespmem:$0x10200] =	vst v63  }
0x10: {  	s11 =	simm.s32 $0x180;
	s12 =	simm.s32 $0xC200;
	s13 =	simm.s32 $0x1  }
0x11: {  	[tilespmem:s12], [sflag:$0x1] =	stream.indirect.gather [hbm4b:s5+s6], $0x80, s11, s6, $0xb8;
	[tilespmem:$0x10200] =	vst v63  }
0x12: {  	_ =	swait.ge [sflag:s13], $0x4000  }
0x13: {  	[sflag:s13] =	ssyncset.done $0x0  }
0x14: {  	[sflag:s13] =	ssyncadd.s32 $0xFFFFC000  }
0x15: {  	_ =	swait.ge [sflag:s13], $0x4000  }
0x16: {  	[sflag:s13] =	ssyncset.done $0x0  }
0x17: {  	s16 =	sshll.u32 s15, $0xD;
	s15 =	ssub.s32 $0x2, s15;
	[sflag:s13] =	ssyncadd.s32 $0xFFFFC000  }
0x18: {  	s31 =	sshrl.u32 s15, $0x1;
	_ =	swait.ge [sflag:s13], $0x4000  }
0x19: {  	s15 =	ssub.s32 s15, s31;
	[sflag:s13] =	ssyncset.done $0x0  }
0x1a: {  	s17 =	sshll.u32 s1, $0xE;
	s15 =	smax.u32 s15, $0x1;
	[sflag:s13] =	ssyncadd.s32 $0xFFFFC000  }
0x1b: {  	s14 =	sadd.s32 s16, s14;
	p0 =	sne.s32 s15, $0x1;
	_ =	swait.ge [sflag:s13], $0x4000  }
.Ltmp0:
0x1c: {  	s14 =	sadd.s32 s17, s14;
	[sflag:s13] =	ssyncset.done $0x0;
	(pc) =	sbr.rel @!p0 .LBB2_2-.Ltmp0, $4  }
0x1d: {  	s14 =	sadd.s32 $0x5000, s14;
	[sflag:s13] =	ssyncadd.s32 $0xFFFFC000  }
0x1e: {  	[hbm4b:s14+s2] =	stream.linear.scatter [tilespmem:s7], [sflag:$0x2], $0x10000, $0x38;
	[tilespmem:$0x10200] =	vst v63  }
0x1f: {  	_ =	swait.ge [sflag:s3], $0x10000  }
0x20: {  	s15 =	sadd.s32 $0xFFFFFFFF, s15;
	[sflag:s3] =	ssyncset.done $0x0  }
.LBB2_1:
0x21: {  	p0 =	sne.s32 s15, $0x1;
	s15 =	sadd.s32 $0xFFFFFFFF, s15;
	[sflag:s3] =	ssyncadd.s32 $0xFFFF0000  }
0x22: {  	[tilespmem:s2], [sflag:$0x2] =	stream.linear.gather [hbm4b:s4+s2], $0x200, $0x38;
	[tilespmem:$0x10200] =	vst v63  }
0x23: {  	_ =	swait.ge [sflag:s3], $0x200  }
0x24: {  	[sflag:s3] =	ssyncset.done $0x0  }
0x25: {  	[sflag:s3] =	ssyncadd.s32 $0xFFFFFE00  }
0x26: {  	[tilespmem:s7], [sflag:$0x1] =	stream.indirect.gather [hbm4b:s5+s6], $0x80, s2, s6, $0xb8;
	[tilespmem:$0x10200] =	vst v63  }
0x27: {  	_ = 	snop  }
0x28: {  	[tilespmem:s8], [sflag:$0x1] =	stream.indirect.gather [hbm4b:s5+s6], $0x80, s6, s6, $0xb8;
	[tilespmem:$0x10200] =	vst v63  }
0x29: {  	_ = 	snop  }
0x2a: {  	[tilespmem:s10], [sflag:$0x1] =	stream.indirect.gather [hbm4b:s5+s6], $0x80, s9, s6, $0xb8;
	[tilespmem:$0x10200] =	vst v63  }
0x2b: {  	_ = 	snop  }
0x2c: {  	[tilespmem:s12], [sflag:$0x1] =	stream.indirect.gather [hbm4b:s5+s6], $0x80, s11, s6, $0xb8;
	[tilespmem:$0x10200] =	vst v63  }
0x2d: {  	_ =	swait.ge [sflag:s13], $0x4000  }
0x2e: {  	[sflag:s13] =	ssyncset.done $0x0  }
0x2f: {  	[sflag:s13] =	ssyncadd.s32 $0xFFFFC000  }
0x30: {  	_ =	swait.ge [sflag:s13], $0x4000  }
0x31: {  	[sflag:s13] =	ssyncset.done $0x0  }
0x32: {  	[sflag:s13] =	ssyncadd.s32 $0xFFFFC000  }
0x33: {  	_ =	swait.ge [sflag:s13], $0x4000  }
0x34: {  	[sflag:s13] =	ssyncset.done $0x0  }
0x35: {  	[sflag:s13] =	ssyncadd.s32 $0xFFFFC000  }
0x36: {  	_ =	swait.ge [sflag:s13], $0x4000  }
.Ltmp1:
0x37: {  	[sflag:s13] =	ssyncset.done $0x0;
	(pc) =	sbr.rel @p0 .LBB2_1-.Ltmp1, $4  }
0x38: {  	[sflag:s13] =	ssyncadd.s32 $0xFFFFC000  }
0x39: {  	[hbm4b:s14+s2] =	stream.linear.scatter [tilespmem:s7], [sflag:$0x2], $0x10000, $0x38;
	[tilespmem:$0x10200] =	vst v63  }
0x3a: {  	_ =	swait.ge [sflag:s3], $0x10000  }
0x3b: {  	[sflag:s3] =	ssyncset.done $0x0  }
.LBB2_2:
0x3c: {  	[sflag:s3] =	ssyncadd.s32 $0xFFFF0000  }
0x3d: {  	_ =	sfence.sel $0x180000  }
0x3e: {  	[bflag:$0x0] =	sbarrier.arrive $0xFFFF  }
0x3f: {  	p0 =	sne.s32 s1, $0x0;
	_ =	strace $0x90000047  }
0x40: {  	s0 =	sadd.s32 @!p0 $0x100000, s0;
	[bflag:$0x2] =	sbarrier.arrive $0xFFFF  }
0x41: {  	[sflag:s0] =	ssyncadd.tile.s32 @!p0 $0x1;
	_ =	shalt  }
.Lfunc_end2:
_tile_overlayer_lowered:
.L_overlay_start_2:
0x42: {  	(tag) =	ssettag $0x2  }
0x43: {  	s0 =	rddreg [dreg:$0x0];
	s2 =	stileid.u32  }
0x44: {  	s1 =	rddreg [dreg:$0x1];
	p0 =	sne.s32 s2, $0x0  }
0x45: {  	s3 =	rddreg [dreg:$0x2];
	[bflag:$0x3] =	sbarrier.arrive $0xFFFF;
	s2 =	simm.s32 @!p0 $0x1C02  }
0x46: {  	[timem:s3], [sflag:s2] =	dma.local @!p0 [hbm:s0], s1  }
0x47: {  	s0 =	simm.s32 @!p0 $0x2  }
0x48: {  	_ =	swait.ge @!p0 [sflag:s0], s1  }
0x49: {  	s1 =	ssub.s32 @!p0 $0x0, s1;
	[sflag:s0] =	ssyncset.done @!p0 $0x0  }
0x4a: {  	[sflag:s0] =	ssyncadd.s32 @!p0 s1  }
0x4b: {  	[bflag:$0x3] =	sbarrier.arrive $0xFFFF  }
0x4c: {  	_ =	shalt  }

</sc_bundles>
